<compile_context>
chip_gen: v7x
topology: tpu7x:2x2x1
jax: 0.10.2.dev20260603
libtpu: 0.0.44.dev20260713+nightly
codegen_flags: <defaults>
</compile_context>

<pallas_src>
import functools

import jax
import jax.numpy as jnp
from jax import lax
from jax.experimental import pallas as pl
from jax.experimental.pallas import tpu as pltpu
from jax.experimental.pallas import tpu_sc as plsc

VOCAB = 100000
WORD_DIM = 300
CHAR_DIM = 100
EXT_DIM = WORD_DIM + CHAR_DIM
BATCH = 1024
MAX_SEQ = 200
NTOK = BATCH * MAX_SEQ
_LAST = EXT_DIM - 3 * 128

_ROWS_PER_BLOCK = 1000


def _concat_body(w_ref, c_ref, o_ref, t0_ref, t1_ref, t2_ref, t3_ref):
    w = w_ref[...]
    c = c_ref[...]
    o_ref[...] = jnp.concatenate([w, c], axis=-1)
    t0_ref[...] = w[:, 0:128]
    t1_ref[...] = w[:, 128:256]
    t2_ref[...] = jnp.concatenate([w[:, 256:WORD_DIM], c[:, 0 : 128 - 44]], axis=-1)
    t3_ref[...] = jnp.concatenate(
        [c[:, 128 - 44 : CHAR_DIM], jnp.zeros((_ROWS_PER_BLOCK, 128 - _LAST), jnp.float32)],
        axis=-1,
    )


def _build_extended(W_word, char_emb_tensor):
    grid = (VOCAB // _ROWS_PER_BLOCK,)
    col_tab = jax.ShapeDtypeStruct((VOCAB, 128), jnp.float32)
    col_spec = pl.BlockSpec((_ROWS_PER_BLOCK, 128), lambda i: (i, 0))
    return pl.pallas_call(
        _concat_body,
        grid=grid,
        in_specs=[
            pl.BlockSpec((_ROWS_PER_BLOCK, WORD_DIM), lambda i: (i, 0)),
            pl.BlockSpec((_ROWS_PER_BLOCK, CHAR_DIM), lambda i: (i, 0)),
        ],
        out_specs=[
            pl.BlockSpec((_ROWS_PER_BLOCK, EXT_DIM), lambda i: (i, 0)),
            col_spec,
            col_spec,
            col_spec,
            col_spec,
        ],
        out_shape=[
            jax.ShapeDtypeStruct((VOCAB, EXT_DIM), jnp.float32),
            col_tab,
            col_tab,
            col_tab,
            col_tab,
        ],
    )(W_word, char_emb_tensor)


_NW = 32
_ROWS_PER_W = BATCH // _NW
_PER_W = NTOK // _NW
_CH = 40
_CPR = MAX_SEQ // _CH


def _make_sc_gather():
    mesh = plsc.VectorSubcoreMesh(core_axis_name="c", subcore_axis_name="s")

    @functools.partial(
        pl.kernel,
        mesh=mesh,
        compiler_params=pltpu.CompilerParams(use_tc_tiling_on_sc=False),
        out_type=jax.ShapeDtypeStruct((BATCH, MAX_SEQ, EXT_DIM), jnp.float32),
        scratch_types=[
            pltpu.VMEM((_PER_W,), jnp.int32),
            pltpu.VMEM((MAX_SEQ, 128), jnp.float32),
            pltpu.VMEM((MAX_SEQ, 128), jnp.float32),
            pltpu.VMEM((MAX_SEQ, 128), jnp.float32),
            pltpu.VMEM((MAX_SEQ, 128), jnp.float32),
            pltpu.SemaphoreType.DMA,
            pltpu.SemaphoreType.DMA,
        ],
    )
    def gather_k(t0, t1, t2, t3, idx_hbm, out_hbm, idx_v, s0, s1, s2, s3, sem, sem_wb):
        tabs = (t0, t1, t2, t3)
        stages = (s0, s1, s2, s3)
        wid = lax.axis_index("s") * 2 + lax.axis_index("c")
        base = wid * _PER_W

        pltpu.sync_copy(idx_hbm.at[pl.ds(base, _PER_W)], idx_v)

        def body(b, carry):
            copies = []
            for s in range(_CPR):
                idx_sl = idx_v.at[pl.ds(b * MAX_SEQ + s * _CH, _CH)]
                for k in range(4):
                    copies.append(
                        pltpu.async_copy(
                            tabs[k].at[idx_sl],
                            stages[k].at[pl.ds(s * _CH, _CH)],
                            sem,
                        )
                    )
            for c in copies:
                c.wait()
            row = out_hbm.at[wid * _ROWS_PER_W + b]
            wb = [
                pltpu.async_copy(stages[k], row.at[:, pl.ds(k * 128, 128)], sem_wb)
                for k in range(3)
            ]
            wb.append(
                pltpu.async_copy(
                    s3.at[:, pl.ds(0, _LAST)], row.at[:, pl.ds(384, _LAST)], sem_wb
                )
            )
            for c in wb:
                c.wait()
            return carry

        lax.fori_loop(0, _ROWS_PER_W, body, 0)

    return gather_k


_sc_gather = _make_sc_gather()


def kernel(word_id_seq, W_word, char_emb_tensor):
    ext, t0, t1, t2, t3 = _build_extended(W_word, char_emb_tensor)
    flat_ids = word_id_seq.reshape(NTOK).astype(jnp.int32)
    embedded_seq = _sc_gather(t0, t1, t2, t3, flat_ids)
    return (embedded_seq, ext, word_id_seq)

# --- scband reference (transcript-rebuilt; emitter-appended) ---
"""Pipeline reference for scband-combined-embedding-78898549228199 (READ-ONLY COPY).

The authoritative reference and input builder live on the scoring server;
editing this copy changes nothing except your own understanding.
"""

import jax, jax.numpy as jnp
import numpy as np

VOCAB = 100000
WORD_DIM = 300
CHAR_DIM = 100
BATCH = 1024
MAX_SEQ = 200

def setup_inputs(seed: int = 0) -> dict:
    key = jax.random.key(seed)
    k1, k2, k3 = jax.random.split(key, 3)
    word_id_seq = jax.random.randint(k1, (BATCH, MAX_SEQ), 0, VOCAB, dtype=jnp.int64 if jax.config.jax_enable_x64 else jnp.int32)
    W_word = jax.random.normal(k2, (VOCAB, WORD_DIM), dtype=jnp.float32) * 0.02
    char_emb_tensor = jax.random.normal(k3, (VOCAB, CHAR_DIM), dtype=jnp.float32) * 0.02
    return {"word_id_seq": word_id_seq, "W_word": W_word, "char_emb_tensor": char_emb_tensor}

def reference(word_id_seq, W_word, char_emb_tensor):
    # word embedding lookup: [bs, max_seq, 300]
    w_embedded_seq = jnp.take(W_word, word_id_seq, axis=0)
    # char embedding lookup per token (precomputed Kazuma char-emb table indexed by word id): [bs, max_seq, 100]
    c_embedded_seq = jnp.take(char_emb_tensor, word_id_seq, axis=0)
    # extended embedding table: [V, 400]
    extended_embeddings = jnp.concatenate([W_word, char_emb_tensor], axis=-1)
    # no OOV extension in tensorized path: extended ids == original ids
    extended_word_id_seq = word_id_seq
    # [bs, max_seq, 400]
    embedded_seq = jnp.concatenate([w_embedded_seq, c_embedded_seq], axis=-1)
    return (embedded_seq, extended_embeddings, extended_word_id_seq)

if __name__ == "__main__":
    import jax
    _d = setup_inputs()
    print(jax.jit(kernel)(*tuple(_d.values())))

</pallas_src>

<mosaic_0001>
#map = affine_map<(d0, d1) -> (0, 0)>
#map1 = affine_map<(d0, d1) -> (0)>
#map2 = affine_map<(d0, d1) -> (0, 0, 0)>
module attributes {stable_mosaic.version = 14 : i64} {
  func.func @gather_k(%arg0: i32, %arg1: i32, %arg2: memref<100000x128xf32, #tpu.memory_space<hbm>>, %arg3: memref<100000x128xf32, #tpu.memory_space<hbm>>, %arg4: memref<100000x128xf32, #tpu.memory_space<hbm>>, %arg5: memref<100000x128xf32, #tpu.memory_space<hbm>>, %arg6: memref<204800xi32, #tpu.memory_space<hbm>>, %arg7: memref<1024x200x400xf32, #tpu.memory_space<hbm>>, %arg8: memref<6400xi32, #tpu.memory_space<vmem>>, %arg9: memref<200x128xf32, #tpu.memory_space<vmem>>, %arg10: memref<200x128xf32, #tpu.memory_space<vmem>>, %arg11: memref<200x128xf32, #tpu.memory_space<vmem>>, %arg12: memref<200x128xf32, #tpu.memory_space<vmem>>, %arg13: memref<!tpu.dma_semaphore, #tpu.memory_space<semaphore_mem>>, %arg14: memref<!tpu.dma_semaphore, #tpu.memory_space<semaphore_mem>>) attributes {dimension_semantics = [#tpu.dimension_semantics<core_parallel>, #tpu.dimension_semantics<subcore_parallel>], iteration_bounds = array<i64: 2, 16>, scalar_prefetch = 0 : i64, scratch_operands = 7 : i64, tpu.core_type = #tpu.core_type<sc_vector_subcore>, window_params = [{transform_indices = #map}, {transform_indices = #map}, {transform_indices = #map}, {transform_indices = #map}, {transform_indices = #map1}, {transform_indices = #map2}]} {
    %mul3A = arith.constant 2 : i32
    %mul3A_0 = arith.muli %arg1, %mul3A : i32
    %add3A = arith.addi %mul3A_0, %arg0 : i32
    %mul3A_1 = arith.constant 6400 : i32
    %mul3A_2 = arith.muli %add3A, %mul3A_1 : i32
    "tpu.region"() ({
      %run_scoped3A = tpu.sem_alloc : memref<!tpu.dma_semaphore, #tpu.memory_space<semaphore_mem>>
      %dma_start3A = tpu.memref_slice %arg6[%mul3A_2] : memref<204800xi32, #tpu.memory_space<hbm>> -> memref<6400xi32, #tpu.memory_space<hbm>>
      %dma_start3A_8 = tpu.memref_slice %arg6[%mul3A_2] : memref<204800xi32, #tpu.memory_space<hbm>> -> memref<6400xi32, #tpu.memory_space<hbm>>
      tpu.enqueue_dma source(%dma_start3A_8 : memref<6400xi32, #tpu.memory_space<hbm>>) target(%arg8 : memref<6400xi32, #tpu.memory_space<vmem>>) target_semaphore(%run_scoped3A : memref<!tpu.dma_semaphore, #tpu.memory_space<semaphore_mem>>)
      %dma_wait3A = tpu.memref_slice %arg6[%mul3A_2] : memref<204800xi32, #tpu.memory_space<hbm>> -> memref<6400xi32, #tpu.memory_space<hbm>>
      %dma_wait3A_9 = tpu.memref_slice %arg6[%mul3A_2] : memref<204800xi32, #tpu.memory_space<hbm>> -> memref<6400xi32, #tpu.memory_space<hbm>>
      tpu.wait_dma2 semaphore(%run_scoped3A : memref<!tpu.dma_semaphore, #tpu.memory_space<semaphore_mem>>) src(%dma_wait3A_9 : memref<6400xi32, #tpu.memory_space<hbm>>) dst(%arg8 : memref<6400xi32, #tpu.memory_space<vmem>>)
      tpu.yield
    }) : () -> ()
    %scan3A = arith.constant 0 : i32
    %scan3A_3 = arith.constant 0 : i32
    %scan3A_4 = arith.constant 32 : i32
    %scan3A_5 = arith.addi %scan3A_3, %scan3A_4 : i32
    %scan3A_6 = arith.constant 1 : i32
    scf.for %scan3A_8 = %scan3A_3 to %scan3A_5 step %scan3A_6  : i32 {
      %mul3A_9 = arith.constant 200 : i32
      %mul3A_10 = arith.muli %scan3A_8, %mul3A_9 : i32
      %add3A_11 = arith.constant 0 : i32
      %add3A_12 = arith.addi %mul3A_10, %add3A_11 : i32
      %dma_start3A = arith.constant 0 : i32
      %dma_start3A_13 = arith.constant 0 : i32
      %dma_start3A_14 = tpu.memref_slice %arg9[%dma_start3A, %dma_start3A_13] : memref<200x128xf32, #tpu.memory_space<vmem>> -> memref<40x128xf32, #tpu.memory_space<vmem>>
      %dma_start3A_15 = tpu.memref_slice %arg8[%add3A_12] : memref<6400xi32, #tpu.memory_space<vmem>> -> memref<40xi32, #tpu.memory_space<vmem>>
      %dma_start3A_16 = arith.constant 0 : i32
      %dma_start3A_17 = arith.constant 0 : i32
      %dma_start3A_18 = tpu.memref_slice %arg2[%dma_start3A_16, %dma_start3A_17] : memref<100000x128xf32, #tpu.memory_space<hbm>> -> memref<100000x128xf32, #tpu.memory_space<hbm>>
      tpu.enqueue_indirect_dma source(%dma_start3A_18 : memref<100000x128xf32, #tpu.memory_space<hbm>>) target(%dma_start3A_14 : memref<40x128xf32, #tpu.memory_space<vmem>>) offsets(%dma_start3A_15 : memref<40xi32, #tpu.memory_space<vmem>>) semaphore(%arg13 : memref<!tpu.dma_semaphore, #tpu.memory_space<semaphore_mem>>)
      %dma_start3A_19 = arith.constant 0 : i32
      %dma_start3A_20 = arith.constant 0 : i32
      %dma_start3A_21 = tpu.memref_slice %arg10[%dma_start3A_19, %dma_start3A_20] : memref<200x128xf32, #tpu.memory_space<vmem>> -> memref<40x128xf32, #tpu.memory_space<vmem>>
      %dma_start3A_22 = tpu.memref_slice %arg8[%add3A_12] : memref<6400xi32, #tpu.memory_space<vmem>> -> memref<40xi32, #tpu.memory_space<vmem>>
      %dma_start3A_23 = arith.constant 0 : i32
      %dma_start3A_24 = arith.constant 0 : i32
      %dma_start3A_25 = tpu.memref_slice %arg3[%dma_start3A_23, %dma_start3A_24] : memref<100000x128xf32, #tpu.memory_space<hbm>> -> memref<100000x128xf32, #tpu.memory_space<hbm>>
      tpu.enqueue_indirect_dma source(%dma_start3A_25 : memref<100000x128xf32, #tpu.memory_space<hbm>>) target(%dma_start3A_21 : memref<40x128xf32, #tpu.memory_space<vmem>>) offsets(%dma_start3A_22 : memref<40xi32, #tpu.memory_space<vmem>>) semaphore(%arg13 : memref<!tpu.dma_semaphore, #tpu.memory_space<semaphore_mem>>)
      %dma_start3A_26 = arith.constant 0 : i32
      %dma_start3A_27 = arith.constant 0 : i32
      %dma_start3A_28 = tpu.memref_slice %arg11[%dma_start3A_26, %dma_start3A_27] : memref<200x128xf32, #tpu.memory_space<vmem>> -> memref<40x128xf32, #tpu.memory_space<vmem>>
      %dma_start3A_29 = tpu.memref_slice %arg8[%add3A_12] : memref<6400xi32, #tpu.memory_space<vmem>> -> memref<40xi32, #tpu.memory_space<vmem>>
      %dma_start3A_30 = arith.constant 0 : i32
      %dma_start3A_31 = arith.constant 0 : i32
      %dma_start3A_32 = tpu.memref_slice %arg4[%dma_start3A_30, %dma_start3A_31] : memref<100000x128xf32, #tpu.memory_space<hbm>> -> memref<100000x128xf32, #tpu.memory_space<hbm>>
      tpu.enqueue_indirect_dma source(%dma_start3A_32 : memref<100000x128xf32, #tpu.memory_space<hbm>>) target(%dma_start3A_28 : memref<40x128xf32, #tpu.memory_space<vmem>>) offsets(%dma_start3A_29 : memref<40xi32, #tpu.memory_space<vmem>>) semaphore(%arg13 : memref<!tpu.dma_semaphore, #tpu.memory_space<semaphore_mem>>)
      %dma_start3A_33 = arith.constant 0 : i32
      %dma_start3A_34 = arith.constant 0 : i32
      %dma_start3A_35 = tpu.memref_slice %arg12[%dma_start3A_33, %dma_start3A_34] : memref<200x128xf32, #tpu.memory_space<vmem>> -> memref<40x128xf32, #tpu.memory_space<vmem>>
      %dma_start3A_36 = tpu.memref_slice %arg8[%add3A_12] : memref<6400xi32, #tpu.memory_space<vmem>> -> memref<40xi32, #tpu.memory_space<vmem>>
      %dma_start3A_37 = arith.constant 0 : i32
      %dma_start3A_38 = arith.constant 0 : i32
      %dma_start3A_39 = tpu.memref_slice %arg5[%dma_start3A_37, %dma_start3A_38] : memref<100000x128xf32, #tpu.memory_space<hbm>> -> memref<100000x128xf32, #tpu.memory_space<hbm>>
      tpu.enqueue_indirect_dma source(%dma_start3A_39 : memref<100000x128xf32, #tpu.memory_space<hbm>>) target(%dma_start3A_35 : memref<40x128xf32, #tpu.memory_space<vmem>>) offsets(%dma_start3A_36 : memref<40xi32, #tpu.memory_space<vmem>>) semaphore(%arg13 : memref<!tpu.dma_semaphore, #tpu.memory_space<semaphore_mem>>)
      %mul3A_40 = arith.constant 200 : i32
      %mul3A_41 = arith.muli %scan3A_8, %mul3A_40 : i32
      %add3A_42 = arith.constant 40 : i32
      %add3A_43 = arith.addi %mul3A_41, %add3A_42 : i32
      %dma_start3A_44 = arith.constant 40 : i32
      %dma_start3A_45 = arith.constant 0 : i32
      %dma_start3A_46 = tpu.memref_slice %arg9[%dma_start3A_44, %dma_start3A_45] : memref<200x128xf32, #tpu.memory_space<vmem>> -> memref<40x128xf32, #tpu.memory_space<vmem>>
      %dma_start3A_47 = tpu.memref_slice %arg8[%add3A_43] : memref<6400xi32, #tpu.memory_space<vmem>> -> memref<40xi32, #tpu.memory_space<vmem>>
      %dma_start3A_48 = arith.constant 0 : i32
      %dma_start3A_49 = arith.constant 0 : i32
      %dma_start3A_50 = tpu.memref_slice %arg2[%dma_start3A_48, %dma_start3A_49] : memref<100000x128xf32, #tpu.memory_space<hbm>> -> memref<100000x128xf32, #tpu.memory_space<hbm>>
      tpu.enqueue_indirect_dma source(%dma_start3A_50 : memref<100000x128xf32, #tpu.memory_space<hbm>>) target(%dma_start3A_46 : memref<40x128xf32, #tpu.memory_space<vmem>>) offsets(%dma_start3A_47 : memref<40xi32, #tpu.memory_space<vmem>>) semaphore(%arg13 : memref<!tpu.dma_semaphore, #tpu.memory_space<semaphore_mem>>)
      %dma_start3A_51 = arith.constant 40 : i32
      %dma_start3A_52 = arith.constant 0 : i32
      %dma_start3A_53 = tpu.memref_slice %arg10[%dma_start3A_51, %dma_start3A_52] : memref<200x128xf32, #tpu.memory_space<vmem>> -> memref<40x128xf32, #tpu.memory_space<vmem>>
      %dma_start3A_54 = tpu.memref_slice %arg8[%add3A_43] : memref<6400xi32, #tpu.memory_space<vmem>> -> memref<40xi32, #tpu.memory_space<vmem>>
      %dma_start3A_55 = arith.constant 0 : i32
      %dma_start3A_56 = arith.constant 0 : i32
      %dma_start3A_57 = tpu.memref_slice %arg3[%dma_start3A_55, %dma_start3A_56] : memref<100000x128xf32, #tpu.memory_space<hbm>> -> memref<100000x128xf32, #tpu.memory_space<hbm>>
      tpu.enqueue_indirect_dma source(%dma_start3A_57 : memref<100000x128xf32, #tpu.memory_space<hbm>>) target(%dma_start3A_53 : memref<40x128xf32, #tpu.memory_space<vmem>>) offsets(%dma_start3A_54 : memref<40xi32, #tpu.memory_space<vmem>>) semaphore(%arg13 : memref<!tpu.dma_semaphore, #tpu.memory_space<semaphore_mem>>)
      %dma_start3A_58 = arith.constant 40 : i32
      %dma_start3A_59 = arith.constant 0 : i32
      %dma_start3A_60 = tpu.memref_slice %arg11[%dma_start3A_58, %dma_start3A_59] : memref<200x128xf32, #tpu.memory_space<vmem>> -> memref<40x128xf32, #tpu.memory_space<vmem>>
      %dma_start3A_61 = tpu.memref_slice %arg8[%add3A_43] : memref<6400xi32, #tpu.memory_space<vmem>> -> memref<40xi32, #tpu.memory_space<vmem>>
      %dma_start3A_62 = arith.constant 0 : i32
      %dma_start3A_63 = arith.constant 0 : i32
      %dma_start3A_64 = tpu.memref_slice %arg4[%dma_start3A_62, %dma_start3A_63] : memref<100000x128xf32, #tpu.memory_space<hbm>> -> memref<100000x128xf32, #tpu.memory_space<hbm>>
      tpu.enqueue_indirect_dma source(%dma_start3A_64 : memref<100000x128xf32, #tpu.memory_space<hbm>>) target(%dma_start3A_60 : memref<40x128xf32, #tpu.memory_space<vmem>>) offsets(%dma_start3A_61 : memref<40xi32, #tpu.memory_space<vmem>>) semaphore(%arg13 : memref<!tpu.dma_semaphore, #tpu.memory_space<semaphore_mem>>)
      %dma_start3A_65 = arith.constant 40 : i32
      %dma_start3A_66 = arith.constant 0 : i32
      %dma_start3A_67 = tpu.memref_slice %arg12[%dma_start3A_65, %dma_start3A_66] : memref<200x128xf32, #tpu.memory_space<vmem>> -> memref<40x128xf32, #tpu.memory_space<vmem>>
      %dma_start3A_68 = tpu.memref_slice %arg8[%add3A_43] : memref<6400xi32, #tpu.memory_space<vmem>> -> memref<40xi32, #tpu.memory_space<vmem>>
      %dma_start3A_69 = arith.constant 0 : i32
      %dma_start3A_70 = arith.constant 0 : i32
      %dma_start3A_71 = tpu.memref_slice %arg5[%dma_start3A_69, %dma_start3A_70] : memref<100000x128xf32, #tpu.memory_space<hbm>> -> memref<100000x128xf32, #tpu.memory_space<hbm>>
      tpu.enqueue_indirect_dma source(%dma_start3A_71 : memref<100000x128xf32, #tpu.memory_space<hbm>>) target(%dma_start3A_67 : memref<40x128xf32, #tpu.memory_space<vmem>>) offsets(%dma_start3A_68 : memref<40xi32, #tpu.memory_space<vmem>>) semaphore(%arg13 : memref<!tpu.dma_semaphore, #tpu.memory_space<semaphore_mem>>)
      %mul3A_72 = arith.constant 200 : i32
      %mul3A_73 = arith.muli %scan3A_8, %mul3A_72 : i32
      %add3A_74 = arith.constant 80 : i32
      %add3A_75 = arith.addi %mul3A_73, %add3A_74 : i32
      %dma_start3A_76 = arith.constant 80 : i32
      %dma_start3A_77 = arith.constant 0 : i32
      %dma_start3A_78 = tpu.memref_slice %arg9[%dma_start3A_76, %dma_start3A_77] : memref<200x128xf32, #tpu.memory_space<vmem>> -> memref<40x128xf32, #tpu.memory_space<vmem>>
      %dma_start3A_79 = tpu.memref_slice %arg8[%add3A_75] : memref<6400xi32, #tpu.memory_space<vmem>> -> memref<40xi32, #tpu.memory_space<vmem>>
      %dma_start3A_80 = arith.constant 0 : i32
      %dma_start3A_81 = arith.constant 0 : i32
      %dma_start3A_82 = tpu.memref_slice %arg2[%dma_start3A_80, %dma_start3A_81] : memref<100000x128xf32, #tpu.memory_space<hbm>> -> memref<100000x128xf32, #tpu.memory_space<hbm>>
      tpu.enqueue_indirect_dma source(%dma_start3A_82 : memref<100000x128xf32, #tpu.memory_space<hbm>>) target(%dma_start3A_78 : memref<40x128xf32, #tpu.memory_space<vmem>>) offsets(%dma_start3A_79 : memref<40xi32, #tpu.memory_space<vmem>>) semaphore(%arg13 : memref<!tpu.dma_semaphore, #tpu.memory_space<semaphore_mem>>)
      %dma_start3A_83 = arith.constant 80 : i32
      %dma_start3A_84 = arith.constant 0 : i32
      %dma_start3A_85 = tpu.memref_slice %arg10[%dma_start3A_83, %dma_start3A_84] : memref<200x128xf32, #tpu.memory_space<vmem>> -> memref<40x128xf32, #tpu.memory_space<vmem>>
      %dma_start3A_86 = tpu.memref_slice %arg8[%add3A_75] : memref<6400xi32, #tpu.memory_space<vmem>> -> memref<40xi32, #tpu.memory_space<vmem>>
      %dma_start3A_87 = arith.constant 0 : i32
      %dma_start3A_88 = arith.constant 0 : i32
      %dma_start3A_89 = tpu.memref_slice %arg3[%dma_start3A_87, %dma_start3A_88] : memref<100000x128xf32, #tpu.memory_space<hbm>> -> memref<100000x128xf32, #tpu.memory_space<hbm>>
      tpu.enqueue_indirect_dma source(%dma_start3A_89 : memref<100000x128xf32, #tpu.memory_space<hbm>>) target(%dma_start3A_85 : memref<40x128xf32, #tpu.memory_space<vmem>>) offsets(%dma_start3A_86 : memref<40xi32, #tpu.memory_space<vmem>>) semaphore(%arg13 : memref<!tpu.dma_semaphore, #tpu.memory_space<semaphore_mem>>)
      %dma_start3A_90 = arith.constant 80 : i32
      %dma_start3A_91 = arith.constant 0 : i32
      %dma_start3A_92 = tpu.memref_slice %arg11[%dma_start3A_90, %dma_start3A_91] : memref<200x128xf32, #tpu.memory_space<vmem>> -> memref<40x128xf32, #tpu.memory_space<vmem>>
      %dma_start3A_93 = tpu.memref_slice %arg8[%add3A_75] : memref<6400xi32, #tpu.memory_space<vmem>> -> memref<40xi32, #tpu.memory_space<vmem>>
      %dma_start3A_94 = arith.constant 0 : i32
      %dma_start3A_95 = arith.constant 0 : i32
      %dma_start3A_96 = tpu.memref_slice %arg4[%dma_start3A_94, %dma_start3A_95] : memref<100000x128xf32, #tpu.memory_space<hbm>> -> memref<100000x128xf32, #tpu.memory_space<hbm>>
      tpu.enqueue_indirect_dma source(%dma_start3A_96 : memref<100000x128xf32, #tpu.memory_space<hbm>>) target(%dma_start3A_92 : memref<40x128xf32, #tpu.memory_space<vmem>>) offsets(%dma_start3A_93 : memref<40xi32, #tpu.memory_space<vmem>>) semaphore(%arg13 : memref<!tpu.dma_semaphore, #tpu.memory_space<semaphore_mem>>)
      %dma_start3A_97 = arith.constant 80 : i32
      %dma_start3A_98 = arith.constant 0 : i32
      %dma_start3A_99 = tpu.memref_slice %arg12[%dma_start3A_97, %dma_start3A_98] : memref<200x128xf32, #tpu.memory_space<vmem>> -> memref<40x128xf32, #tpu.memory_space<vmem>>
      %dma_start3A_100 = tpu.memref_slice %arg8[%add3A_75] : memref<6400xi32, #tpu.memory_space<vmem>> -> memref<40xi32, #tpu.memory_space<vmem>>
      %dma_start3A_101 = arith.constant 0 : i32
      %dma_start3A_102 = arith.constant 0 : i32
      %dma_start3A_103 = tpu.memref_slice %arg5[%dma_start3A_101, %dma_start3A_102] : memref<100000x128xf32, #tpu.memory_space<hbm>> -> memref<100000x128xf32, #tpu.memory_space<hbm>>
      tpu.enqueue_indirect_dma source(%dma_start3A_103 : memref<100000x128xf32, #tpu.memory_space<hbm>>) target(%dma_start3A_99 : memref<40x128xf32, #tpu.memory_space<vmem>>) offsets(%dma_start3A_100 : memref<40xi32, #tpu.memory_space<vmem>>) semaphore(%arg13 : memref<!tpu.dma_semaphore, #tpu.memory_space<semaphore_mem>>)
      %mul3A_104 = arith.constant 200 : i32
      %mul3A_105 = arith.muli %scan3A_8, %mul3A_104 : i32
      %add3A_106 = arith.constant 120 : i32
      %add3A_107 = arith.addi %mul3A_105, %add3A_106 : i32
      %dma_start3A_108 = arith.constant 120 : i32
      %dma_start3A_109 = arith.constant 0 : i32
      %dma_start3A_110 = tpu.memref_slice %arg9[%dma_start3A_108, %dma_start3A_109] : memref<200x128xf32, #tpu.memory_space<vmem>> -> memref<40x128xf32, #tpu.memory_space<vmem>>
      %dma_start3A_111 = tpu.memref_slice %arg8[%add3A_107] : memref<6400xi32, #tpu.memory_space<vmem>> -> memref<40xi32, #tpu.memory_space<vmem>>
      %dma_start3A_112 = arith.constant 0 : i32
      %dma_start3A_113 = arith.constant 0 : i32
      %dma_start3A_114 = tpu.memref_slice %arg2[%dma_start3A_112, %dma_start3A_113] : memref<100000x128xf32, #tpu.memory_space<hbm>> -> memref<100000x128xf32, #tpu.memory_space<hbm>>
      tpu.enqueue_indirect_dma source(%dma_start3A_114 : memref<100000x128xf32, #tpu.memory_space<hbm>>) target(%dma_start3A_110 : memref<40x128xf32, #tpu.memory_space<vmem>>) offsets(%dma_start3A_111 : memref<40xi32, #tpu.memory_space<vmem>>) semaphore(%arg13 : memref<!tpu.dma_semaphore, #tpu.memory_space<semaphore_mem>>)
      %dma_start3A_115 = arith.constant 120 : i32
      %dma_start3A_116 = arith.constant 0 : i32
      %dma_start3A_117 = tpu.memref_slice %arg10[%dma_start3A_115, %dma_start3A_116] : memref<200x128xf32, #tpu.memory_space<vmem>> -> memref<40x128xf32, #tpu.memory_space<vmem>>
      %dma_start3A_118 = tpu.memref_slice %arg8[%add3A_107] : memref<6400xi32, #tpu.memory_space<vmem>> -> memref<40xi32, #tpu.memory_space<vmem>>
      %dma_start3A_119 = arith.constant 0 : i32
      %dma_start3A_120 = arith.constant 0 : i32
      %dma_start3A_121 = tpu.memref_slice %arg3[%dma_start3A_119, %dma_start3A_120] : memref<100000x128xf32, #tpu.memory_space<hbm>> -> memref<100000x128xf32, #tpu.memory_space<hbm>>
      tpu.enqueue_indirect_dma source(%dma_start3A_121 : memref<100000x128xf32, #tpu.memory_space<hbm>>) target(%dma_start3A_117 : memref<40x128xf32, #tpu.memory_space<vmem>>) offsets(%dma_start3A_118 : memref<40xi32, #tpu.memory_space<vmem>>) semaphore(%arg13 : memref<!tpu.dma_semaphore, #tpu.memory_space<semaphore_mem>>)
      %dma_start3A_122 = arith.constant 120 : i32
      %dma_start3A_123 = arith.constant 0 : i32
      %dma_start3A_124 = tpu.memref_slice %arg11[%dma_start3A_122, %dma_start3A_123] : memref<200x128xf32, #tpu.memory_space<vmem>> -> memref<40x128xf32, #tpu.memory_space<vmem>>
      %dma_start3A_125 = tpu.memref_slice %arg8[%add3A_107] : memref<6400xi32, #tpu.memory_space<vmem>> -> memref<40xi32, #tpu.memory_space<vmem>>
      %dma_start3A_126 = arith.constant 0 : i32
      %dma_start3A_127 = arith.constant 0 : i32
      %dma_start3A_128 = tpu.memref_slice %arg4[%dma_start3A_126, %dma_start3A_127] : memref<100000x128xf32, #tpu.memory_space<hbm>> -> memref<100000x128xf32, #tpu.memory_space<hbm>>
      tpu.enqueue_indirect_dma source(%dma_start3A_128 : memref<100000x128xf32, #tpu.memory_space<hbm>>) target(%dma_start3A_124 : memref<40x128xf32, #tpu.memory_space<vmem>>) offsets(%dma_start3A_125 : memref<40xi32, #tpu.memory_space<vmem>>) semaphore(%arg13 : memref<!tpu.dma_semaphore, #tpu.memory_space<semaphore_mem>>)
      %dma_start3A_129 = arith.constant 120 : i32
      %dma_start3A_130 = arith.constant 0 : i32
      %dma_start3A_131 = tpu.memref_slice %arg12[%dma_start3A_129, %dma_start3A_130] : memref<200x128xf32, #tpu.memory_space<vmem>> -> memref<40x128xf32, #tpu.memory_space<vmem>>
      %dma_start3A_132 = tpu.memref_slice %arg8[%add3A_107] : memref<6400xi32, #tpu.memory_space<vmem>> -> memref<40xi32, #tpu.memory_space<vmem>>
      %dma_start3A_133 = arith.constant 0 : i32
      %dma_start3A_134 = arith.constant 0 : i32
      %dma_start3A_135 = tpu.memref_slice %arg5[%dma_start3A_133, %dma_start3A_134] : memref<100000x128xf32, #tpu.memory_space<hbm>> -> memref<100000x128xf32, #tpu.memory_space<hbm>>
      tpu.enqueue_indirect_dma source(%dma_start3A_135 : memref<100000x128xf32, #tpu.memory_space<hbm>>) target(%dma_start3A_131 : memref<40x128xf32, #tpu.memory_space<vmem>>) offsets(%dma_start3A_132 : memref<40xi32, #tpu.memory_space<vmem>>) semaphore(%arg13 : memref<!tpu.dma_semaphore, #tpu.memory_space<semaphore_mem>>)
      %mul3A_136 = arith.constant 200 : i32
      %mul3A_137 = arith.muli %scan3A_8, %mul3A_136 : i32
      %add3A_138 = arith.constant 160 : i32
      %add3A_139 = arith.addi %mul3A_137, %add3A_138 : i32
      %dma_start3A_140 = arith.constant 160 : i32
      %dma_start3A_141 = arith.constant 0 : i32
      %dma_start3A_142 = tpu.memref_slice %arg9[%dma_start3A_140, %dma_start3A_141] : memref<200x128xf32, #tpu.memory_space<vmem>> -> memref<40x128xf32, #tpu.memory_space<vmem>>
      %dma_start3A_143 = tpu.memref_slice %arg8[%add3A_139] : memref<6400xi32, #tpu.memory_space<vmem>> -> memref<40xi32, #tpu.memory_space<vmem>>
      %dma_start3A_144 = arith.constant 0 : i32
      %dma_start3A_145 = arith.constant 0 : i32
      %dma_start3A_146 = tpu.memref_slice %arg2[%dma_start3A_144, %dma_start3A_145] : memref<100000x128xf32, #tpu.memory_space<hbm>> -> memref<100000x128xf32, #tpu.memory_space<hbm>>
      tpu.enqueue_indirect_dma source(%dma_start3A_146 : memref<100000x128xf32, #tpu.memory_space<hbm>>) target(%dma_start3A_142 : memref<40x128xf32, #tpu.memory_space<vmem>>) offsets(%dma_start3A_143 : memref<40xi32, #tpu.memory_space<vmem>>) semaphore(%arg13 : memref<!tpu.dma_semaphore, #tpu.memory_space<semaphore_mem>>)
      %dma_start3A_147 = arith.constant 160 : i32
      %dma_start3A_148 = arith.constant 0 : i32
      %dma_start3A_149 = tpu.memref_slice %arg10[%dma_start3A_147, %dma_start3A_148] : memref<200x128xf32, #tpu.memory_space<vmem>> -> memref<40x128xf32, #tpu.memory_space<vmem>>
      %dma_start3A_150 = tpu.memref_slice %arg8[%add3A_139] : memref<6400xi32, #tpu.memory_space<vmem>> -> memref<40xi32, #tpu.memory_space<vmem>>
      %dma_start3A_151 = arith.constant 0 : i32
      %dma_start3A_152 = arith.constant 0 : i32
      %dma_start3A_153 = tpu.memref_slice %arg3[%dma_start3A_151, %dma_start3A_152] : memref<100000x128xf32, #tpu.memory_space<hbm>> -> memref<100000x128xf32, #tpu.memory_space<hbm>>
      tpu.enqueue_indirect_dma source(%dma_start3A_153 : memref<100000x128xf32, #tpu.memory_space<hbm>>) target(%dma_start3A_149 : memref<40x128xf32, #tpu.memory_space<vmem>>) offsets(%dma_start3A_150 : memref<40xi32, #tpu.memory_space<vmem>>) semaphore(%arg13 : memref<!tpu.dma_semaphore, #tpu.memory_space<semaphore_mem>>)
      %dma_start3A_154 = arith.constant 160 : i32
      %dma_start3A_155 = arith.constant 0 : i32
      %dma_start3A_156 = tpu.memref_slice %arg11[%dma_start3A_154, %dma_start3A_155] : memref<200x128xf32, #tpu.memory_space<vmem>> -> memref<40x128xf32, #tpu.memory_space<vmem>>
      %dma_start3A_157 = tpu.memref_slice %arg8[%add3A_139] : memref<6400xi32, #tpu.memory_space<vmem>> -> memref<40xi32, #tpu.memory_space<vmem>>
      %dma_start3A_158 = arith.constant 0 : i32
      %dma_start3A_159 = arith.constant 0 : i32
      %dma_start3A_160 = tpu.memref_slice %arg4[%dma_start3A_158, %dma_start3A_159] : memref<100000x128xf32, #tpu.memory_space<hbm>> -> memref<100000x128xf32, #tpu.memory_space<hbm>>
      tpu.enqueue_indirect_dma source(%dma_start3A_160 : memref<100000x128xf32, #tpu.memory_space<hbm>>) target(%dma_start3A_156 : memref<40x128xf32, #tpu.memory_space<vmem>>) offsets(%dma_start3A_157 : memref<40xi32, #tpu.memory_space<vmem>>) semaphore(%arg13 : memref<!tpu.dma_semaphore, #tpu.memory_space<semaphore_mem>>)
      %dma_start3A_161 = arith.constant 160 : i32
      %dma_start3A_162 = arith.constant 0 : i32
      %dma_start3A_163 = tpu.memref_slice %arg12[%dma_start3A_161, %dma_start3A_162] : memref<200x128xf32, #tpu.memory_space<vmem>> -> memref<40x128xf32, #tpu.memory_space<vmem>>
      %dma_start3A_164 = tpu.memref_slice %arg8[%add3A_139] : memref<6400xi32, #tpu.memory_space<vmem>> -> memref<40xi32, #tpu.memory_space<vmem>>
      %dma_start3A_165 = arith.constant 0 : i32
      %dma_start3A_166 = arith.constant 0 : i32
      %dma_start3A_167 = tpu.memref_slice %arg5[%dma_start3A_165, %dma_start3A_166] : memref<100000x128xf32, #tpu.memory_space<hbm>> -> memref<100000x128xf32, #tpu.memory_space<hbm>>
      tpu.enqueue_indirect_dma source(%dma_start3A_167 : memref<100000x128xf32, #tpu.memory_space<hbm>>) target(%dma_start3A_163 : memref<40x128xf32, #tpu.memory_space<vmem>>) offsets(%dma_start3A_164 : memref<40xi32, #tpu.memory_space<vmem>>) semaphore(%arg13 : memref<!tpu.dma_semaphore, #tpu.memory_space<semaphore_mem>>)
      %dma_wait3A = arith.constant 0 : i32
      %dma_wait3A_168 = arith.constant 0 : i32
      %dma_wait3A_169 = tpu.memref_slice %arg9[%dma_wait3A, %dma_wait3A_168] : memref<200x128xf32, #tpu.memory_space<vmem>> -> memref<40x128xf32, #tpu.memory_space<vmem>>
      %dma_wait3A_170 = tpu.memref_slice %arg8[%add3A_12] : memref<6400xi32, #tpu.memory_space<vmem>> -> memref<40xi32, #tpu.memory_space<vmem>>
      %dma_wait3A_171 = arith.constant 0 : i32
      %dma_wait3A_172 = arith.constant 0 : i32
      %dma_wait3A_173 = tpu.memref_slice %arg2[%dma_wait3A_171, %dma_wait3A_172] : memref<100000x128xf32, #tpu.memory_space<hbm>> -> memref<100000x128xf32, #tpu.memory_space<hbm>>
      tpu.wait_indirect_dma semaphore(%arg13 : memref<!tpu.dma_semaphore, #tpu.memory_space<semaphore_mem>>) src(%dma_wait3A_173 : memref<100000x128xf32, #tpu.memory_space<hbm>>) dst(%dma_wait3A_169 : memref<40x128xf32, #tpu.memory_space<vmem>>)
      %dma_wait3A_174 = arith.constant 0 : i32
      %dma_wait3A_175 = arith.constant 0 : i32
      %dma_wait3A_176 = tpu.memref_slice %arg10[%dma_wait3A_174, %dma_wait3A_175] : memref<200x128xf32, #tpu.memory_space<vmem>> -> memref<40x128xf32, #tpu.memory_space<vmem>>
      %dma_wait3A_177 = tpu.memref_slice %arg8[%add3A_12] : memref<6400xi32, #tpu.memory_space<vmem>> -> memref<40xi32, #tpu.memory_space<vmem>>
      %dma_wait3A_178 = arith.constant 0 : i32
      %dma_wait3A_179 = arith.constant 0 : i32
      %dma_wait3A_180 = tpu.memref_slice %arg3[%dma_wait3A_178, %dma_wait3A_179] : memref<100000x128xf32, #tpu.memory_space<hbm>> -> memref<100000x128xf32, #tpu.memory_space<hbm>>
      tpu.wait_indirect_dma semaphore(%arg13 : memref<!tpu.dma_semaphore, #tpu.memory_space<semaphore_mem>>) src(%dma_wait3A_180 : memref<100000x128xf32, #tpu.memory_space<hbm>>) dst(%dma_wait3A_176 : memref<40x128xf32, #tpu.memory_space<vmem>>)
      %dma_wait3A_181 = arith.constant 0 : i32
      %dma_wait3A_182 = arith.constant 0 : i32
      %dma_wait3A_183 = tpu.memref_slice %arg11[%dma_wait3A_181, %dma_wait3A_182] : memref<200x128xf32, #tpu.memory_space<vmem>> -> memref<40x128xf32, #tpu.memory_space<vmem>>
      %dma_wait3A_184 = tpu.memref_slice %arg8[%add3A_12] : memref<6400xi32, #tpu.memory_space<vmem>> -> memref<40xi32, #tpu.memory_space<vmem>>
      %dma_wait3A_185 = arith.constant 0 : i32
      %dma_wait3A_186 = arith.constant 0 : i32
      %dma_wait3A_187 = tpu.memref_slice %arg4[%dma_wait3A_185, %dma_wait3A_186] : memref<100000x128xf32, #tpu.memory_space<hbm>> -> memref<100000x128xf32, #tpu.memory_space<hbm>>
      tpu.wait_indirect_dma semaphore(%arg13 : memref<!tpu.dma_semaphore, #tpu.memory_space<semaphore_mem>>) src(%dma_wait3A_187 : memref<100000x128xf32, #tpu.memory_space<hbm>>) dst(%dma_wait3A_183 : memref<40x128xf32, #tpu.memory_space<vmem>>)
      %dma_wait3A_188 = arith.constant 0 : i32
      %dma_wait3A_189 = arith.constant 0 : i32
      %dma_wait3A_190 = tpu.memref_slice %arg12[%dma_wait3A_188, %dma_wait3A_189] : memref<200x128xf32, #tpu.memory_space<vmem>> -> memref<40x128xf32, #tpu.memory_space<vmem>>
      %dma_wait3A_191 = tpu.memref_slice %arg8[%add3A_12] : memref<6400xi32, #tpu.memory_space<vmem>> -> memref<40xi32, #tpu.memory_space<vmem>>
      %dma_wait3A_192 = arith.constant 0 : i32
      %dma_wait3A_193 = arith.constant 0 : i32
      %dma_wait3A_194 = tpu.memref_slice %arg5[%dma_wait3A_192, %dma_wait3A_193] : memref<100000x128xf32, #tpu.memory_space<hbm>> -> memref<100000x128xf32, #tpu.memory_space<hbm>>
      tpu.wait_indirect_dma semaphore(%arg13 : memref<!tpu.dma_semaphore, #tpu.memory_space<semaphore_mem>>) src(%dma_wait3A_194 : memref<100000x128xf32, #tpu.memory_space<hbm>>) dst(%dma_wait3A_190 : memref<40x128xf32, #tpu.memory_space<vmem>>)
      %dma_wait3A_195 = arith.constant 40 : i32
      %dma_wait3A_196 = arith.constant 0 : i32
      %dma_wait3A_197 = tpu.memref_slice %arg9[%dma_wait3A_195, %dma_wait3A_196] : memref<200x128xf32, #tpu.memory_space<vmem>> -> memref<40x128xf32, #tpu.memory_space<vmem>>
      %dma_wait3A_198 = tpu.memref_slice %arg8[%add3A_43] : memref<6400xi32, #tpu.memory_space<vmem>> -> memref<40xi32, #tpu.memory_space<vmem>>
      %dma_wait3A_199 = arith.constant 0 : i32
      %dma_wait3A_200 = arith.constant 0 : i32
      %dma_wait3A_201 = tpu.memref_slice %arg2[%dma_wait3A_199, %dma_wait3A_200] : memref<100000x128xf32, #tpu.memory_space<hbm>> -> memref<100000x128xf32, #tpu.memory_space<hbm>>
      tpu.wait_indirect_dma semaphore(%arg13 : memref<!tpu.dma_semaphore, #tpu.memory_space<semaphore_mem>>) src(%dma_wait3A_201 : memref<100000x128xf32, #tpu.memory_space<hbm>>) dst(%dma_wait3A_197 : memref<40x128xf32, #tpu.memory_space<vmem>>)
      %dma_wait3A_202 = arith.constant 40 : i32
      %dma_wait3A_203 = arith.constant 0 : i32
      %dma_wait3A_204 = tpu.memref_slice %arg10[%dma_wait3A_202, %dma_wait3A_203] : memref<200x128xf32, #tpu.memory_space<vmem>> -> memref<40x128xf32, #tpu.memory_space<vmem>>
      %dma_wait3A_205 = tpu.memref_slice %arg8[%add3A_43] : memref<6400xi32, #tpu.memory_space<vmem>> -> memref<40xi32, #tpu.memory_space<vmem>>
      %dma_wait3A_206 = arith.constant 0 : i32
      %dma_wait3A_207 = arith.constant 0 : i32
      %dma_wait3A_208 = tpu.memref_slice %arg3[%dma_wait3A_206, %dma_wait3A_207] : memref<100000x128xf32, #tpu.memory_space<hbm>> -> memref<100000x128xf32, #tpu.memory_space<hbm>>
      tpu.wait_indirect_dma semaphore(%arg13 : memref<!tpu.dma_semaphore, #tpu.memory_space<semaphore_mem>>) src(%dma_wait3A_208 : memref<100000x128xf32, #tpu.memory_space<hbm>>) dst(%dma_wait3A_204 : memref<40x128xf32, #tpu.memory_space<vmem>>)
      %dma_wait3A_209 = arith.constant 40 : i32
      %dma_wait3A_210 = arith.constant 0 : i32
      %dma_wait3A_211 = tpu.memref_slice %arg11[%dma_wait3A_209, %dma_wait3A_210] : memref<200x128xf32, #tpu.memory_space<vmem>> -> memref<40x128xf32, #tpu.memory_space<vmem>>
      %dma_wait3A_212 = tpu.memref_slice %arg8[%add3A_43] : memref<6400xi32, #tpu.memory_space<vmem>> -> memref<40xi32, #tpu.memory_space<vmem>>
      %dma_wait3A_213 = arith.constant 0 : i32
      %dma_wait3A_214 = arith.constant 0 : i32
      %dma_wait3A_215 = tpu.memref_slice %arg4[%dma_wait3A_213, %dma_wait3A_214] : memref<100000x128xf32, #tpu.memory_space<hbm>> -> memref<100000x128xf32, #tpu.memory_space<hbm>>
      tpu.wait_indirect_dma semaphore(%arg13 : memref<!tpu.dma_semaphore, #tpu.memory_space<semaphore_mem>>) src(%dma_wait3A_215 : memref<100000x128xf32, #tpu.memory_space<hbm>>) dst(%dma_wait3A_211 : memref<40x128xf32, #tpu.memory_space<vmem>>)
      %dma_wait3A_216 = arith.constant 40 : i32
      %dma_wait3A_217 = arith.constant 0 : i32
      %dma_wait3A_218 = tpu.memref_slice %arg12[%dma_wait3A_216, %dma_wait3A_217] : memref<200x128xf32, #tpu.memory_space<vmem>> -> memref<40x128xf32, #tpu.memory_space<vmem>>
      %dma_wait3A_219 = tpu.memref_slice %arg8[%add3A_43] : memref<6400xi32, #tpu.memory_space<vmem>> -> memref<40xi32, #tpu.memory_space<vmem>>
      %dma_wait3A_220 = arith.constant 0 : i32
      %dma_wait3A_221 = arith.constant 0 : i32
      %dma_wait3A_222 = tpu.memref_slice %arg5[%dma_wait3A_220, %dma_wait3A_221] : memref<100000x128xf32, #tpu.memory_space<hbm>> -> memref<100000x128xf32, #tpu.memory_space<hbm>>
      tpu.wait_indirect_dma semaphore(%arg13 : memref<!tpu.dma_semaphore, #tpu.memory_space<semaphore_mem>>) src(%dma_wait3A_222 : memref<100000x128xf32, #tpu.memory_space<hbm>>) dst(%dma_wait3A_218 : memref<40x128xf32, #tpu.memory_space<vmem>>)
      %dma_wait3A_223 = arith.constant 80 : i32
      %dma_wait3A_224 = arith.constant 0 : i32
      %dma_wait3A_225 = tpu.memref_slice %arg9[%dma_wait3A_223, %dma_wait3A_224] : memref<200x128xf32, #tpu.memory_space<vmem>> -> memref<40x128xf32, #tpu.memory_space<vmem>>
      %dma_wait3A_226 = tpu.memref_slice %arg8[%add3A_75] : memref<6400xi32, #tpu.memory_space<vmem>> -> memref<40xi32, #tpu.memory_space<vmem>>
      %dma_wait3A_227 = arith.constant 0 : i32
      %dma_wait3A_228 = arith.constant 0 : i32
      %dma_wait3A_229 = tpu.memref_slice %arg2[%dma_wait3A_227, %dma_wait3A_228] : memref<100000x128xf32, #tpu.memory_space<hbm>> -> memref<100000x128xf32, #tpu.memory_space<hbm>>
      tpu.wait_indirect_dma semaphore(%arg13 : memref<!tpu.dma_semaphore, #tpu.memory_space<semaphore_mem>>) src(%dma_wait3A_229 : memref<100000x128xf32, #tpu.memory_space<hbm>>) dst(%dma_wait3A_225 : memref<40x128xf32, #tpu.memory_space<vmem>>)
      %dma_wait3A_230 = arith.constant 80 : i32
      %dma_wait3A_231 = arith.constant 0 : i32
      %dma_wait3A_232 = tpu.memref_slice %arg10[%dma_wait3A_230, %dma_wait3A_231] : memref<200x128xf32, #tpu.memory_space<vmem>> -> memref<40x128xf32, #tpu.memory_space<vmem>>
      %dma_wait3A_233 = tpu.memref_slice %arg8[%add3A_75] : memref<6400xi32, #tpu.memory_space<vmem>> -> memref<40xi32, #tpu.memory_space<vmem>>
      %dma_wait3A_234 = arith.constant 0 : i32
      %dma_wait3A_235 = arith.constant 0 : i32
      %dma_wait3A_236 = tpu.memref_slice %arg3[%dma_wait3A_234, %dma_wait3A_235] : memref<100000x128xf32, #tpu.memory_space<hbm>> -> memref<100000x128xf32, #tpu.memory_space<hbm>>
      tpu.wait_indirect_dma semaphore(%arg13 : memref<!tpu.dma_semaphore, #tpu.memory_space<semaphore_mem>>) src(%dma_wait3A_236 : memref<100000x128xf32, #tpu.memory_space<hbm>>) dst(%dma_wait3A_232 : memref<40x128xf32, #tpu.memory_space<vmem>>)
      %dma_wait3A_237 = arith.constant 80 : i32
      %dma_wait3A_238 = arith.constant 0 : i32
      %dma_wait3A_239 = tpu.memref_slice %arg11[%dma_wait3A_237, %dma_wait3A_238] : memref<200x128xf32, #tpu.memory_space<vmem>> -> memref<40x128xf32, #tpu.memory_space<vmem>>
      %dma_wait3A_240 = tpu.memref_slice %arg8[%add3A_75] : memref<6400xi32, #tpu.memory_space<vmem>> -> memref<40xi32, #tpu.memory_space<vmem>>
      %dma_wait3A_241 = arith.constant 0 : i32
      %dma_wait3A_242 = arith.constant 0 : i32
      %dma_wait3A_243 = tpu.memref_slice %arg4[%dma_wait3A_241, %dma_wait3A_242] : memref<100000x128xf32, #tpu.memory_space<hbm>> -> memref<100000x128xf32, #tpu.memory_space<hbm>>
      tpu.wait_indirect_dma semaphore(%arg13 : memref<!tpu.dma_semaphore, #tpu.memory_space<semaphore_mem>>) src(%dma_wait3A_243 : memref<100000x128xf32, #tpu.memory_space<hbm>>) dst(%dma_wait3A_239 : memref<40x128xf32, #tpu.memory_space<vmem>>)
      %dma_wait3A_244 = arith.constant 80 : i32
      %dma_wait3A_245 = arith.constant 0 : i32
      %dma_wait3A_246 = tpu.memref_slice %arg12[%dma_wait3A_244, %dma_wait3A_245] : memref<200x128xf32, #tpu.memory_space<vmem>> -> memref<40x128xf32, #tpu.memory_space<vmem>>
      %dma_wait3A_247 = tpu.memref_slice %arg8[%add3A_75] : memref<6400xi32, #tpu.memory_space<vmem>> -> memref<40xi32, #tpu.memory_space<vmem>>
      %dma_wait3A_248 = arith.constant 0 : i32
      %dma_wait3A_249 = arith.constant 0 : i32
      %dma_wait3A_250 = tpu.memref_slice %arg5[%dma_wait3A_248, %dma_wait3A_249] : memref<100000x128xf32, #tpu.memory_space<hbm>> -> memref<100000x128xf32, #tpu.memory_space<hbm>>
      tpu.wait_indirect_dma semaphore(%arg13 : memref<!tpu.dma_semaphore, #tpu.memory_space<semaphore_mem>>) src(%dma_wait3A_250 : memref<100000x128xf32, #tpu.memory_space<hbm>>) dst(%dma_wait3A_246 : memref<40x128xf32, #tpu.memory_space<vmem>>)
      %dma_wait3A_251 = arith.constant 120 : i32
      %dma_wait3A_252 = arith.constant 0 : i32
      %dma_wait3A_253 = tpu.memref_slice %arg9[%dma_wait3A_251, %dma_wait3A_252] : memref<200x128xf32, #tpu.memory_space<vmem>> -> memref<40x128xf32, #tpu.memory_space<vmem>>
      %dma_wait3A_254 = tpu.memref_slice %arg8[%add3A_107] : memref<6400xi32, #tpu.memory_space<vmem>> -> memref<40xi32, #tpu.memory_space<vmem>>
      %dma_wait3A_255 = arith.constant 0 : i32
      %dma_wait3A_256 = arith.constant 0 : i32
      %dma_wait3A_257 = tpu.memref_slice %arg2[%dma_wait3A_255, %dma_wait3A_256] : memref<100000x128xf32, #tpu.memory_space<hbm>> -> memref<100000x128xf32, #tpu.memory_space<hbm>>
      tpu.wait_indirect_dma semaphore(%arg13 : memref<!tpu.dma_semaphore, #tpu.memory_space<semaphore_mem>>) src(%dma_wait3A_257 : memref<100000x128xf32, #tpu.memory_space<hbm>>) dst(%dma_wait3A_253 : memref<40x128xf32, #tpu.memory_space<vmem>>)
      %dma_wait3A_258 = arith.constant 120 : i32
      %dma_wait3A_259 = arith.constant 0 : i32
      %dma_wait3A_260 = tpu.memref_slice %arg10[%dma_wait3A_258, %dma_wait3A_259] : memref<200x128xf32, #tpu.memory_space<vmem>> -> memref<40x128xf32, #tpu.memory_space<vmem>>
      %dma_wait3A_261 = tpu.memref_slice %arg8[%add3A_107] : memref<6400xi32, #tpu.memory_space<vmem>> -> memref<40xi32, #tpu.memory_space<vmem>>
      %dma_wait3A_262 = arith.constant 0 : i32
      %dma_wait3A_263 = arith.constant 0 : i32
      %dma_wait3A_264 = tpu.memref_slice %arg3[%dma_wait3A_262, %dma_wait3A_263] : memref<100000x128xf32, #tpu.memory_space<hbm>> -> memref<100000x128xf32, #tpu.memory_space<hbm>>
      tpu.wait_indirect_dma semaphore(%arg13 : memref<!tpu.dma_semaphore, #tpu.memory_space<semaphore_mem>>) src(%dma_wait3A_264 : memref<100000x128xf32, #tpu.memory_space<hbm>>) dst(%dma_wait3A_260 : memref<40x128xf32, #tpu.memory_space<vmem>>)
      %dma_wait3A_265 = arith.constant 120 : i32
      %dma_wait3A_266 = arith.constant 0 : i32
      %dma_wait3A_267 = tpu.memref_slice %arg11[%dma_wait3A_265, %dma_wait3A_266] : memref<200x128xf32, #tpu.memory_space<vmem>> -> memref<40x128xf32, #tpu.memory_space<vmem>>
      %dma_wait3A_268 = tpu.memref_slice %arg8[%add3A_107] : memref<6400xi32, #tpu.memory_space<vmem>> -> memref<40xi32, #tpu.memory_space<vmem>>
      %dma_wait3A_269 = arith.constant 0 : i32
      %dma_wait3A_270 = arith.constant 0 : i32
      %dma_wait3A_271 = tpu.memref_slice %arg4[%dma_wait3A_269, %dma_wait3A_270] : memref<100000x128xf32, #tpu.memory_space<hbm>> -> memref<100000x128xf32, #tpu.memory_space<hbm>>
      tpu.wait_indirect_dma semaphore(%arg13 : memref<!tpu.dma_semaphore, #tpu.memory_space<semaphore_mem>>) src(%dma_wait3A_271 : memref<100000x128xf32, #tpu.memory_space<hbm>>) dst(%dma_wait3A_267 : memref<40x128xf32, #tpu.memory_space<vmem>>)
      %dma_wait3A_272 = arith.constant 120 : i32
      %dma_wait3A_273 = arith.constant 0 : i32
      %dma_wait3A_274 = tpu.memref_slice %arg12[%dma_wait3A_272, %dma_wait3A_273] : memref<200x128xf32, #tpu.memory_space<vmem>> -> memref<40x128xf32, #tpu.memory_space<vmem>>
      %dma_wait3A_275 = tpu.memref_slice %arg8[%add3A_107] : memref<6400xi32, #tpu.memory_space<vmem>> -> memref<40xi32, #tpu.memory_space<vmem>>
      %dma_wait3A_276 = arith.constant 0 : i32
      %dma_wait3A_277 = arith.constant 0 : i32
      %dma_wait3A_278 = tpu.memref_slice %arg5[%dma_wait3A_276, %dma_wait3A_277] : memref<100000x128xf32, #tpu.memory_space<hbm>> -> memref<100000x128xf32, #tpu.memory_space<hbm>>
      tpu.wait_indirect_dma semaphore(%arg13 : memref<!tpu.dma_semaphore, #tpu.memory_space<semaphore_mem>>) src(%dma_wait3A_278 : memref<100000x128xf32, #tpu.memory_space<hbm>>) dst(%dma_wait3A_274 : memref<40x128xf32, #tpu.memory_space<vmem>>)
      %dma_wait3A_279 = arith.constant 160 : i32
      %dma_wait3A_280 = arith.constant 0 : i32
      %dma_wait3A_281 = tpu.memref_slice %arg9[%dma_wait3A_279, %dma_wait3A_280] : memref<200x128xf32, #tpu.memory_space<vmem>> -> memref<40x128xf32, #tpu.memory_space<vmem>>
      %dma_wait3A_282 = tpu.memref_slice %arg8[%add3A_139] : memref<6400xi32, #tpu.memory_space<vmem>> -> memref<40xi32, #tpu.memory_space<vmem>>
      %dma_wait3A_283 = arith.constant 0 : i32
      %dma_wait3A_284 = arith.constant 0 : i32
      %dma_wait3A_285 = tpu.memref_slice %arg2[%dma_wait3A_283, %dma_wait3A_284] : memref<100000x128xf32, #tpu.memory_space<hbm>> -> memref<100000x128xf32, #tpu.memory_space<hbm>>
      tpu.wait_indirect_dma semaphore(%arg13 : memref<!tpu.dma_semaphore, #tpu.memory_space<semaphore_mem>>) src(%dma_wait3A_285 : memref<100000x128xf32, #tpu.memory_space<hbm>>) dst(%dma_wait3A_281 : memref<40x128xf32, #tpu.memory_space<vmem>>)
      %dma_wait3A_286 = arith.constant 160 : i32
      %dma_wait3A_287 = arith.constant 0 : i32
      %dma_wait3A_288 = tpu.memref_slice %arg10[%dma_wait3A_286, %dma_wait3A_287] : memref<200x128xf32, #tpu.memory_space<vmem>> -> memref<40x128xf32, #tpu.memory_space<vmem>>
      %dma_wait3A_289 = tpu.memref_slice %arg8[%add3A_139] : memref<6400xi32, #tpu.memory_space<vmem>> -> memref<40xi32, #tpu.memory_space<vmem>>
      %dma_wait3A_290 = arith.constant 0 : i32
      %dma_wait3A_291 = arith.constant 0 : i32
      %dma_wait3A_292 = tpu.memref_slice %arg3[%dma_wait3A_290, %dma_wait3A_291] : memref<100000x128xf32, #tpu.memory_space<hbm>> -> memref<100000x128xf32, #tpu.memory_space<hbm>>
      tpu.wait_indirect_dma semaphore(%arg13 : memref<!tpu.dma_semaphore, #tpu.memory_space<semaphore_mem>>) src(%dma_wait3A_292 : memref<100000x128xf32, #tpu.memory_space<hbm>>) dst(%dma_wait3A_288 : memref<40x128xf32, #tpu.memory_space<vmem>>)
      %dma_wait3A_293 = arith.constant 160 : i32
      %dma_wait3A_294 = arith.constant 0 : i32
      %dma_wait3A_295 = tpu.memref_slice %arg11[%dma_wait3A_293, %dma_wait3A_294] : memref<200x128xf32, #tpu.memory_space<vmem>> -> memref<40x128xf32, #tpu.memory_space<vmem>>
      %dma_wait3A_296 = tpu.memref_slice %arg8[%add3A_139] : memref<6400xi32, #tpu.memory_space<vmem>> -> memref<40xi32, #tpu.memory_space<vmem>>
      %dma_wait3A_297 = arith.constant 0 : i32
      %dma_wait3A_298 = arith.constant 0 : i32
      %dma_wait3A_299 = tpu.memref_slice %arg4[%dma_wait3A_297, %dma_wait3A_298] : memref<100000x128xf32, #tpu.memory_space<hbm>> -> memref<100000x128xf32, #tpu.memory_space<hbm>>
      tpu.wait_indirect_dma semaphore(%arg13 : memref<!tpu.dma_semaphore, #tpu.memory_space<semaphore_mem>>) src(%dma_wait3A_299 : memref<100000x128xf32, #tpu.memory_space<hbm>>) dst(%dma_wait3A_295 : memref<40x128xf32, #tpu.memory_space<vmem>>)
      %dma_wait3A_300 = arith.constant 160 : i32
      %dma_wait3A_301 = arith.constant 0 : i32
      %dma_wait3A_302 = tpu.memref_slice %arg12[%dma_wait3A_300, %dma_wait3A_301] : memref<200x128xf32, #tpu.memory_space<vmem>> -> memref<40x128xf32, #tpu.memory_space<vmem>>
      %dma_wait3A_303 = tpu.memref_slice %arg8[%add3A_139] : memref<6400xi32, #tpu.memory_space<vmem>> -> memref<40xi32, #tpu.memory_space<vmem>>
      %dma_wait3A_304 = arith.constant 0 : i32
      %dma_wait3A_305 = arith.constant 0 : i32
      %dma_wait3A_306 = tpu.memref_slice %arg5[%dma_wait3A_304, %dma_wait3A_305] : memref<100000x128xf32, #tpu.memory_space<hbm>> -> memref<100000x128xf32, #tpu.memory_space<hbm>>
      tpu.wait_indirect_dma semaphore(%arg13 : memref<!tpu.dma_semaphore, #tpu.memory_space<semaphore_mem>>) src(%dma_wait3A_306 : memref<100000x128xf32, #tpu.memory_space<hbm>>) dst(%dma_wait3A_302 : memref<40x128xf32, #tpu.memory_space<vmem>>)
      %mul3A_307 = arith.constant 32 : i32
      %mul3A_308 = arith.muli %add3A, %mul3A_307 : i32
      %add3A_309 = arith.addi %mul3A_308, %scan3A_8 : i32
      %dma_start3A_310 = arith.constant 0 : i32
      %dma_start3A_311 = arith.constant 0 : i32
      %dma_start3A_312 = tpu.memref_slice %arg7[%add3A_309, %dma_start3A_310, %dma_start3A_311] : memref<1024x200x400xf32, #tpu.memory_space<hbm>> -> memref<1x200x400xf32, #tpu.memory_space<hbm>>
      %dma_start3A_313 = tpu.memref_squeeze %dma_start3A_312 : memref<1x200x400xf32, #tpu.memory_space<hbm>> -> memref<200x400xf32, #tpu.memory_space<hbm>>
      %dma_start3A_314 = arith.constant 0 : i32
      %dma_start3A_315 = arith.constant 0 : i32
      %dma_start3A_316 = tpu.memref_slice %dma_start3A_313[%dma_start3A_314, %dma_start3A_315] : memref<200x400xf32, #tpu.memory_space<hbm>> -> memref<200x128xf32, #tpu.memory_space<hbm>>
      %dma_start3A_317 = arith.constant 0 : i32
      %dma_start3A_318 = arith.constant 0 : i32
      %dma_start3A_319 = tpu.memref_slice %arg7[%add3A_309, %dma_start3A_317, %dma_start3A_318] : memref<1024x200x400xf32, #tpu.memory_space<hbm>> -> memref<1x200x400xf32, #tpu.memory_space<hbm>>
      %dma_start3A_320 = tpu.memref_squeeze %dma_start3A_319 : memref<1x200x400xf32, #tpu.memory_space<hbm>> -> memref<200x400xf32, #tpu.memory_space<hbm>>
      %dma_start3A_321 = arith.constant 0 : i32
      %dma_start3A_322 = arith.constant 0 : i32
      %dma_start3A_323 = tpu.memref_slice %dma_start3A_320[%dma_start3A_321, %dma_start3A_322] : memref<200x400xf32, #tpu.memory_space<hbm>> -> memref<200x128xf32, #tpu.memory_space<hbm>>
      tpu.enqueue_dma source(%arg9 : memref<200x128xf32, #tpu.memory_space<vmem>>) target(%dma_start3A_323 : memref<200x128xf32, #tpu.memory_space<hbm>>) target_semaphore(%arg14 : memref<!tpu.dma_semaphore, #tpu.memory_space<semaphore_mem>>)
      %dma_start3A_324 = arith.constant 0 : i32
      %dma_start3A_325 = arith.constant 0 : i32
      %dma_start3A_326 = tpu.memref_slice %arg7[%add3A_309, %dma_start3A_324, %dma_start3A_325] : memref<1024x200x400xf32, #tpu.memory_space<hbm>> -> memref<1x200x400xf32, #tpu.memory_space<hbm>>
      %dma_start3A_327 = tpu.memref_squeeze %dma_start3A_326 : memref<1x200x400xf32, #tpu.memory_space<hbm>> -> memref<200x400xf32, #tpu.memory_space<hbm>>
      %dma_start3A_328 = arith.constant 0 : i32
      %dma_start3A_329 = arith.constant 128 : i32
      %dma_start3A_330 = tpu.memref_slice %dma_start3A_327[%dma_start3A_328, %dma_start3A_329] : memref<200x400xf32, #tpu.memory_space<hbm>> -> memref<200x128xf32, #tpu.memory_space<hbm>>
      %dma_start3A_331 = arith.constant 0 : i32
      %dma_start3A_332 = arith.constant 0 : i32
      %dma_start3A_333 = tpu.memref_slice %arg7[%add3A_309, %dma_start3A_331, %dma_start3A_332] : memref<1024x200x400xf32, #tpu.memory_space<hbm>> -> memref<1x200x400xf32, #tpu.memory_space<hbm>>
      %dma_start3A_334 = tpu.memref_squeeze %dma_start3A_333 : memref<1x200x400xf32, #tpu.memory_space<hbm>> -> memref<200x400xf32, #tpu.memory_space<hbm>>
      %dma_start3A_335 = arith.constant 0 : i32
      %dma_start3A_336 = arith.constant 128 : i32
      %dma_start3A_337 = tpu.memref_slice %dma_start3A_334[%dma_start3A_335, %dma_start3A_336] : memref<200x400xf32, #tpu.memory_space<hbm>> -> memref<200x128xf32, #tpu.memory_space<hbm>>
      tpu.enqueue_dma source(%arg10 : memref<200x128xf32, #tpu.memory_space<vmem>>) target(%dma_start3A_337 : memref<200x128xf32, #tpu.memory_space<hbm>>) target_semaphore(%arg14 : memref<!tpu.dma_semaphore, #tpu.memory_space<semaphore_mem>>)
      %dma_start3A_338 = arith.constant 0 : i32
      %dma_start3A_339 = arith.constant 0 : i32
      %dma_start3A_340 = tpu.memref_slice %arg7[%add3A_309, %dma_start3A_338, %dma_start3A_339] : memref<1024x200x400xf32, #tpu.memory_space<hbm>> -> memref<1x200x400xf32, #tpu.memory_space<hbm>>
      %dma_start3A_341 = tpu.memref_squeeze %dma_start3A_340 : memref<1x200x400xf32, #tpu.memory_space<hbm>> -> memref<200x400xf32, #tpu.memory_space<hbm>>
      %dma_start3A_342 = arith.constant 0 : i32
      %dma_start3A_343 = arith.constant 256 : i32
      %dma_start3A_344 = tpu.memref_slice %dma_start3A_341[%dma_start3A_342, %dma_start3A_343] : memref<200x400xf32, #tpu.memory_space<hbm>> -> memref<200x128xf32, #tpu.memory_space<hbm>>
      %dma_start3A_345 = arith.constant 0 : i32
      %dma_start3A_346 = arith.constant 0 : i32
      %dma_start3A_347 = tpu.memref_slice %arg7[%add3A_309, %dma_start3A_345, %dma_start3A_346] : memref<1024x200x400xf32, #tpu.memory_space<hbm>> -> memref<1x200x400xf32, #tpu.memory_space<hbm>>
      %dma_start3A_348 = tpu.memref_squeeze %dma_start3A_347 : memref<1x200x400xf32, #tpu.memory_space<hbm>> -> memref<200x400xf32, #tpu.memory_space<hbm>>
      %dma_start3A_349 = arith.constant 0 : i32
      %dma_start3A_350 = arith.constant 256 : i32
      %dma_start3A_351 = tpu.memref_slice %dma_start3A_348[%dma_start3A_349, %dma_start3A_350] : memref<200x400xf32, #tpu.memory_space<hbm>> -> memref<200x128xf32, #tpu.memory_space<hbm>>
      tpu.enqueue_dma source(%arg11 : memref<200x128xf32, #tpu.memory_space<vmem>>) target(%dma_start3A_351 : memref<200x128xf32, #tpu.memory_space<hbm>>) target_semaphore(%arg14 : memref<!tpu.dma_semaphore, #tpu.memory_space<semaphore_mem>>)
      %dma_start3A_352 = arith.constant 0 : i32
      %dma_start3A_353 = arith.constant 0 : i32
      %dma_start3A_354 = tpu.memref_slice %arg12[%dma_start3A_352, %dma_start3A_353] : memref<200x128xf32, #tpu.memory_space<vmem>> -> memref<200x16xf32, #tpu.memory_space<vmem>>
      %dma_start3A_355 = arith.constant 0 : i32
      %dma_start3A_356 = arith.constant 0 : i32
      %dma_start3A_357 = tpu.memref_slice %arg7[%add3A_309, %dma_start3A_355, %dma_start3A_356] : memref<1024x200x400xf32, #tpu.memory_space<hbm>> -> memref<1x200x400xf32, #tpu.memory_space<hbm>>
      %dma_start3A_358 = tpu.memref_squeeze %dma_start3A_357 : memref<1x200x400xf32, #tpu.memory_space<hbm>> -> memref<200x400xf32, #tpu.memory_space<hbm>>
      %dma_start3A_359 = arith.constant 0 : i32
      %dma_start3A_360 = arith.constant 384 : i32
      %dma_start3A_361 = tpu.memref_slice %dma_start3A_358[%dma_start3A_359, %dma_start3A_360] : memref<200x400xf32, #tpu.memory_space<hbm>> -> memref<200x16xf32, #tpu.memory_space<hbm>>
      %dma_start3A_362 = arith.constant 0 : i32
      %dma_start3A_363 = arith.constant 0 : i32
      %dma_start3A_364 = tpu.memref_slice %arg7[%add3A_309, %dma_start3A_362, %dma_start3A_363] : memref<1024x200x400xf32, #tpu.memory_space<hbm>> -> memref<1x200x400xf32, #tpu.memory_space<hbm>>
      %dma_start3A_365 = tpu.memref_squeeze %dma_start3A_364 : memref<1x200x400xf32, #tpu.memory_space<hbm>> -> memref<200x400xf32, #tpu.memory_space<hbm>>
      %dma_start3A_366 = arith.constant 0 : i32
      %dma_start3A_367 = arith.constant 384 : i32
      %dma_start3A_368 = tpu.memref_slice %dma_start3A_365[%dma_start3A_366, %dma_start3A_367] : memref<200x400xf32, #tpu.memory_space<hbm>> -> memref<200x16xf32, #tpu.memory_space<hbm>>
      %dma_start3A_369 = arith.constant 0 : i32
      %dma_start3A_370 = arith.constant 0 : i32
      %dma_start3A_371 = tpu.memref_slice %arg12[%dma_start3A_369, %dma_start3A_370] : memref<200x128xf32, #tpu.memory_space<vmem>> -> memref<200x16xf32, #tpu.memory_space<vmem>>
      tpu.enqueue_dma source(%dma_start3A_371 : memref<200x16xf32, #tpu.memory_space<vmem>>) target(%dma_start3A_368 : memref<200x16xf32, #tpu.memory_space<hbm>>) target_semaphore(%arg14 : memref<!tpu.dma_semaphore, #tpu.memory_space<semaphore_mem>>)
      %dma_wait3A_372 = arith.constant 0 : i32
      %dma_wait3A_373 = arith.constant 0 : i32
      %dma_wait3A_374 = tpu.memref_slice %arg7[%add3A_309, %dma_wait3A_372, %dma_wait3A_373] : memref<1024x200x400xf32, #tpu.memory_space<hbm>> -> memref<1x200x400xf32, #tpu.memory_space<hbm>>
      %dma_wait3A_375 = tpu.memref_squeeze %dma_wait3A_374 : memref<1x200x400xf32, #tpu.memory_space<hbm>> -> memref<200x400xf32, #tpu.memory_space<hbm>>
      %dma_wait3A_376 = arith.constant 0 : i32
      %dma_wait3A_377 = arith.constant 0 : i32
      %dma_wait3A_378 = tpu.memref_slice %dma_wait3A_375[%dma_wait3A_376, %dma_wait3A_377] : memref<200x400xf32, #tpu.memory_space<hbm>> -> memref<200x128xf32, #tpu.memory_space<hbm>>
      %dma_wait3A_379 = arith.constant 0 : i32
      %dma_wait3A_380 = arith.constant 0 : i32
      %dma_wait3A_381 = tpu.memref_slice %arg7[%add3A_309, %dma_wait3A_379, %dma_wait3A_380] : memref<1024x200x400xf32, #tpu.memory_space<hbm>> -> memref<1x200x400xf32, #tpu.memory_space<hbm>>
      %dma_wait3A_382 = tpu.memref_squeeze %dma_wait3A_381 : memref<1x200x400xf32, #tpu.memory_space<hbm>> -> memref<200x400xf32, #tpu.memory_space<hbm>>
      %dma_wait3A_383 = arith.constant 0 : i32
      %dma_wait3A_384 = arith.constant 0 : i32
      %dma_wait3A_385 = tpu.memref_slice %dma_wait3A_382[%dma_wait3A_383, %dma_wait3A_384] : memref<200x400xf32, #tpu.memory_space<hbm>> -> memref<200x128xf32, #tpu.memory_space<hbm>>
      tpu.wait_dma2 semaphore(%arg14 : memref<!tpu.dma_semaphore, #tpu.memory_space<semaphore_mem>>) src(%arg9 : memref<200x128xf32, #tpu.memory_space<vmem>>) dst(%dma_wait3A_385 : memref<200x128xf32, #tpu.memory_space<hbm>>)
      %dma_wait3A_386 = arith.constant 0 : i32
      %dma_wait3A_387 = arith.constant 0 : i32
      %dma_wait3A_388 = tpu.memref_slice %arg7[%add3A_309, %dma_wait3A_386, %dma_wait3A_387] : memref<1024x200x400xf32, #tpu.memory_space<hbm>> -> memref<1x200x400xf32, #tpu.memory_space<hbm>>
      %dma_wait3A_389 = tpu.memref_squeeze %dma_wait3A_388 : memref<1x200x400xf32, #tpu.memory_space<hbm>> -> memref<200x400xf32, #tpu.memory_space<hbm>>
      %dma_wait3A_390 = arith.constant 0 : i32
      %dma_wait3A_391 = arith.constant 128 : i32
      %dma_wait3A_392 = tpu.memref_slice %dma_wait3A_389[%dma_wait3A_390, %dma_wait3A_391] : memref<200x400xf32, #tpu.memory_space<hbm>> -> memref<200x128xf32, #tpu.memory_space<hbm>>
      %dma_wait3A_393 = arith.constant 0 : i32
      %dma_wait3A_394 = arith.constant 0 : i32
      %dma_wait3A_395 = tpu.memref_slice %arg7[%add3A_309, %dma_wait3A_393, %dma_wait3A_394] : memref<1024x200x400xf32, #tpu.memory_space<hbm>> -> memref<1x200x400xf32, #tpu.memory_space<hbm>>
      %dma_wait3A_396 = tpu.memref_squeeze %dma_wait3A_395 : memref<1x200x400xf32, #tpu.memory_space<hbm>> -> memref<200x400xf32, #tpu.memory_space<hbm>>
      %dma_wait3A_397 = arith.constant 0 : i32
      %dma_wait3A_398 = arith.constant 128 : i32
      %dma_wait3A_399 = tpu.memref_slice %dma_wait3A_396[%dma_wait3A_397, %dma_wait3A_398] : memref<200x400xf32, #tpu.memory_space<hbm>> -> memref<200x128xf32, #tpu.memory_space<hbm>>
      tpu.wait_dma2 semaphore(%arg14 : memref<!tpu.dma_semaphore, #tpu.memory_space<semaphore_mem>>) src(%arg10 : memref<200x128xf32, #tpu.memory_space<vmem>>) dst(%dma_wait3A_399 : memref<200x128xf32, #tpu.memory_space<hbm>>)
      %dma_wait3A_400 = arith.constant 0 : i32
      %dma_wait3A_401 = arith.constant 0 : i32
      %dma_wait3A_402 = tpu.memref_slice %arg7[%add3A_309, %dma_wait3A_400, %dma_wait3A_401] : memref<1024x200x400xf32, #tpu.memory_space<hbm>> -> memref<1x200x400xf32, #tpu.memory_space<hbm>>
      %dma_wait3A_403 = tpu.memref_squeeze %dma_wait3A_402 : memref<1x200x400xf32, #tpu.memory_space<hbm>> -> memref<200x400xf32, #tpu.memory_space<hbm>>
      %dma_wait3A_404 = arith.constant 0 : i32
      %dma_wait3A_405 = arith.constant 256 : i32
      %dma_wait3A_406 = tpu.memref_slice %dma_wait3A_403[%dma_wait3A_404, %dma_wait3A_405] : memref<200x400xf32, #tpu.memory_space<hbm>> -> memref<200x128xf32, #tpu.memory_space<hbm>>
      %dma_wait3A_407 = arith.constant 0 : i32
      %dma_wait3A_408 = arith.constant 0 : i32
      %dma_wait3A_409 = tpu.memref_slice %arg7[%add3A_309, %dma_wait3A_407, %dma_wait3A_408] : memref<1024x200x400xf32, #tpu.memory_space<hbm>> -> memref<1x200x400xf32, #tpu.memory_space<hbm>>
      %dma_wait3A_410 = tpu.memref_squeeze %dma_wait3A_409 : memref<1x200x400xf32, #tpu.memory_space<hbm>> -> memref<200x400xf32, #tpu.memory_space<hbm>>
      %dma_wait3A_411 = arith.constant 0 : i32
      %dma_wait3A_412 = arith.constant 256 : i32
      %dma_wait3A_413 = tpu.memref_slice %dma_wait3A_410[%dma_wait3A_411, %dma_wait3A_412] : memref<200x400xf32, #tpu.memory_space<hbm>> -> memref<200x128xf32, #tpu.memory_space<hbm>>
      tpu.wait_dma2 semaphore(%arg14 : memref<!tpu.dma_semaphore, #tpu.memory_space<semaphore_mem>>) src(%arg11 : memref<200x128xf32, #tpu.memory_space<vmem>>) dst(%dma_wait3A_413 : memref<200x128xf32, #tpu.memory_space<hbm>>)
      %dma_wait3A_414 = arith.constant 0 : i32
      %dma_wait3A_415 = arith.constant 0 : i32
      %dma_wait3A_416 = tpu.memref_slice %arg12[%dma_wait3A_414, %dma_wait3A_415] : memref<200x128xf32, #tpu.memory_space<vmem>> -> memref<200x16xf32, #tpu.memory_space<vmem>>
      %dma_wait3A_417 = arith.constant 0 : i32
      %dma_wait3A_418 = arith.constant 0 : i32
      %dma_wait3A_419 = tpu.memref_slice %arg7[%add3A_309, %dma_wait3A_417, %dma_wait3A_418] : memref<1024x200x400xf32, #tpu.memory_space<hbm>> -> memref<1x200x400xf32, #tpu.memory_space<hbm>>
      %dma_wait3A_420 = tpu.memref_squeeze %dma_wait3A_419 : memref<1x200x400xf32, #tpu.memory_space<hbm>> -> memref<200x400xf32, #tpu.memory_space<hbm>>
      %dma_wait3A_421 = arith.constant 0 : i32
      %dma_wait3A_422 = arith.constant 384 : i32
      %dma_wait3A_423 = tpu.memref_slice %dma_wait3A_420[%dma_wait3A_421, %dma_wait3A_422] : memref<200x400xf32, #tpu.memory_space<hbm>> -> memref<200x16xf32, #tpu.memory_space<hbm>>
      %dma_wait3A_424 = arith.constant 0 : i32
      %dma_wait3A_425 = arith.constant 0 : i32
      %dma_wait3A_426 = tpu.memref_slice %arg7[%add3A_309, %dma_wait3A_424, %dma_wait3A_425] : memref<1024x200x400xf32, #tpu.memory_space<hbm>> -> memref<1x200x400xf32, #tpu.memory_space<hbm>>
      %dma_wait3A_427 = tpu.memref_squeeze %dma_wait3A_426 : memref<1x200x400xf32, #tpu.memory_space<hbm>> -> memref<200x400xf32, #tpu.memory_space<hbm>>
      %dma_wait3A_428 = arith.constant 0 : i32
      %dma_wait3A_429 = arith.constant 384 : i32
      %dma_wait3A_430 = tpu.memref_slice %dma_wait3A_427[%dma_wait3A_428, %dma_wait3A_429] : memref<200x400xf32, #tpu.memory_space<hbm>> -> memref<200x16xf32, #tpu.memory_space<hbm>>
      %dma_wait3A_431 = arith.constant 0 : i32
      %dma_wait3A_432 = arith.constant 0 : i32
      %dma_wait3A_433 = tpu.memref_slice %arg12[%dma_wait3A_431, %dma_wait3A_432] : memref<200x128xf32, #tpu.memory_space<vmem>> -> memref<200x16xf32, #tpu.memory_space<vmem>>
      tpu.wait_dma2 semaphore(%arg14 : memref<!tpu.dma_semaphore, #tpu.memory_space<semaphore_mem>>) src(%dma_wait3A_433 : memref<200x16xf32, #tpu.memory_space<vmem>>) dst(%dma_wait3A_430 : memref<200x16xf32, #tpu.memory_space<hbm>>)
    }
    %scan3A_7 = arith.constant 32 : i32
    return
  }
}

module attributes {stable_mosaic.version = 14 : i64} {
  func.func @_concat_body(%arg0: i32, %arg1: memref<1000x300xf32, #tpu.memory_space<vmem>>, %arg2: memref<1000x100xf32, #tpu.memory_space<vmem>>, %arg3: memref<1000x400xf32, #tpu.memory_space<vmem>>, %arg4: memref<1000x128xf32, #tpu.memory_space<vmem>>, %arg5: memref<1000x128xf32, #tpu.memory_space<vmem>>, %arg6: memref<1000x128xf32, #tpu.memory_space<vmem>>, %arg7: memref<1000x128xf32, #tpu.memory_space<vmem>>) attributes {dimension_semantics = [#tpu.dimension_semantics<arbitrary>], iteration_bounds = array<i64: 100>, scalar_prefetch = 0 : i64, scratch_operands = 0 : i64, tpu.core_type = #tpu.core_type<tc>, window_params = [{transform_indices = @transform_0, window_bounds = array<i64: 1000, 300>}, {transform_indices = @transform_1, window_bounds = array<i64: 1000, 100>}, {transform_indices = @transform_2, window_bounds = array<i64: 1000, 400>}, {transform_indices = @transform_3, window_bounds = array<i64: 1000, 128>}, {transform_indices = @transform_4, window_bounds = array<i64: 1000, 128>}, {transform_indices = @transform_5, window_bounds = array<i64: 1000, 128>}, {transform_indices = @transform_6, window_bounds = array<i64: 1000, 128>}]} {
    %get3A = arith.constant 0 : index
    %get3A_0 = arith.constant 0 : index
    %get3A_1 = vector.load %arg1[%get3A, %get3A_0] : memref<1000x300xf32, #tpu.memory_space<vmem>>, vector<1000x300xf32>
    %get3A_2 = arith.constant 0 : index
    %get3A_3 = arith.constant 0 : index
    %get3A_4 = vector.load %arg2[%get3A_2, %get3A_3] : memref<1000x100xf32, #tpu.memory_space<vmem>>, vector<1000x100xf32>
    %concatenate3A = tpu.concatenate %get3A_1, %get3A_4 in 1 : vector<1000x300xf32>, vector<1000x100xf32> -> vector<1000x400xf32>
    %swap3A = arith.constant 0 : index
    %swap3A_5 = arith.constant 0 : index
    %swap3A_6 = vector.load %arg3[%swap3A, %swap3A_5] : memref<1000x400xf32, #tpu.memory_space<vmem>>, vector<1000x400xf32>
    tpu.vector_store %arg3[%swap3A, %swap3A_5], %concatenate3A {strides = array<i32>} : memref<1000x400xf32, #tpu.memory_space<vmem>>, vector<1000x400xf32>,
    %slice3A = vector.extract_strided_slice %get3A_1 {offsets = [0, 0], sizes = [1000, 128], strides = [1, 1]} : vector<1000x300xf32> to vector<1000x128xf32>
    %swap3A_7 = arith.constant 0 : index
    %swap3A_8 = arith.constant 0 : index
    %swap3A_9 = vector.load %arg4[%swap3A_7, %swap3A_8] : memref<1000x128xf32, #tpu.memory_space<vmem>>, vector<1000x128xf32>
    tpu.vector_store %arg4[%swap3A_7, %swap3A_8], %slice3A {strides = array<i32>} : memref<1000x128xf32, #tpu.memory_space<vmem>>, vector<1000x128xf32>,
    %slice3A_10 = vector.extract_strided_slice %get3A_1 {offsets = [0, 128], sizes = [1000, 128], strides = [1, 1]} : vector<1000x300xf32> to vector<1000x128xf32>
    %swap3A_11 = arith.constant 0 : index
    %swap3A_12 = arith.constant 0 : index
    %swap3A_13 = vector.load %arg5[%swap3A_11, %swap3A_12] : memref<1000x128xf32, #tpu.memory_space<vmem>>, vector<1000x128xf32>
    tpu.vector_store %arg5[%swap3A_11, %swap3A_12], %slice3A_10 {strides = array<i32>} : memref<1000x128xf32, #tpu.memory_space<vmem>>, vector<1000x128xf32>,
    %slice3A_14 = vector.extract_strided_slice %get3A_1 {offsets = [0, 256], sizes = [1000, 44], strides = [1, 1]} : vector<1000x300xf32> to vector<1000x44xf32>
    %slice3A_15 = vector.extract_strided_slice %get3A_4 {offsets = [0, 0], sizes = [1000, 84], strides = [1, 1]} : vector<1000x100xf32> to vector<1000x84xf32>
    %concatenate3A_16 = tpu.concatenate %slice3A_14, %slice3A_15 in 1 : vector<1000x44xf32>, vector<1000x84xf32> -> vector<1000x128xf32>
    %swap3A_17 = arith.constant 0 : index
    %swap3A_18 = arith.constant 0 : index
    %swap3A_19 = vector.load %arg6[%swap3A_17, %swap3A_18] : memref<1000x128xf32, #tpu.memory_space<vmem>>, vector<1000x128xf32>
    tpu.vector_store %arg6[%swap3A_17, %swap3A_18], %concatenate3A_16 {strides = array<i32>} : memref<1000x128xf32, #tpu.memory_space<vmem>>, vector<1000x128xf32>,
    %slice3A_20 = vector.extract_strided_slice %get3A_4 {offsets = [0, 84], sizes = [1000, 16], strides = [1, 1]} : vector<1000x100xf32> to vector<1000x16xf32>
    %broadcast_in_dim3A = arith.constant 0.000000e+00 : f32
    %broadcast_in_dim3A_21 = vector.broadcast %broadcast_in_dim3A : f32 to vector<1000x112xf32>
    %concatenate3A_22 = tpu.concatenate %slice3A_20, %broadcast_in_dim3A_21 in 1 : vector<1000x16xf32>, vector<1000x112xf32> -> vector<1000x128xf32>
    %swap3A_23 = arith.constant 0 : index
    %swap3A_24 = arith.constant 0 : index
    %swap3A_25 = vector.load %arg7[%swap3A_23, %swap3A_24] : memref<1000x128xf32, #tpu.memory_space<vmem>>, vector<1000x128xf32>
    tpu.vector_store %arg7[%swap3A_23, %swap3A_24], %concatenate3A_22 {strides = array<i32>} : memref<1000x128xf32, #tpu.memory_space<vmem>>, vector<1000x128xf32>,
    return
  }
  func.func @transform_0(%arg0: i32) -> (i32, i32) {
    %c0_i32 = arith.constant 0 : i32
    %c0_i32_0 = arith.constant 0 : i32
    return %arg0, %c0_i32 : i32, i32
  }
  func.func @transform_1(%arg0: i32) -> (i32, i32) {
    %c0_i32 = arith.constant 0 : i32
    %c0_i32_0 = arith.constant 0 : i32
    return %arg0, %c0_i32 : i32, i32
  }
  func.func @transform_2(%arg0: i32) -> (i32, i32) {
    %c0_i32 = arith.constant 0 : i32
    %c0_i32_0 = arith.constant 0 : i32
    return %arg0, %c0_i32 : i32, i32
  }
  func.func @transform_3(%arg0: i32) -> (i32, i32) {
    %c0_i32 = arith.constant 0 : i32
    %c0_i32_0 = arith.constant 0 : i32
    return %arg0, %c0_i32 : i32, i32
  }
  func.func @transform_4(%arg0: i32) -> (i32, i32) {
    %c0_i32 = arith.constant 0 : i32
    %c0_i32_0 = arith.constant 0 : i32
    return %arg0, %c0_i32 : i32, i32
  }
  func.func @transform_5(%arg0: i32) -> (i32, i32) {
    %c0_i32 = arith.constant 0 : i32
    %c0_i32_0 = arith.constant 0 : i32
    return %arg0, %c0_i32 : i32, i32
  }
  func.func @transform_6(%arg0: i32) -> (i32, i32) {
    %c0_i32 = arith.constant 0 : i32
    %c0_i32_0 = arith.constant 0 : i32
    return %arg0, %c0_i32 : i32, i32
  }
}

</mosaic_0001>

<sc_bundles>
// kernel: kernel.4.cloned.1.call-start
scs
__scs_entry_jumppad:
0x0: {  	(pc) =	sbr.rel $0x88, $3  }
0x1: {  	(tag) =	ssettag $0x0;
	lr =	simm.s32 $0x1  }
0x2: {  	[smem:$0x3F9E] =	sst lr;
	_ =	strace $0xD0000000  }
0x3: {  	_ = 	snop  }
0x4: {  	_ = 	snop  }
0x5: {  	_ = 	snop  }
0x6: {  	_ = 	snop  }
0x7: {  	_ = 	snop  }
__scs_overlays_trampoline_lowered:
0x8: {  	[smem:$0x3FAD] =	sst s0  }
0x9: {  	[smem:$0x3FAE] =	sst s1  }
0xa: {  	[smem:$0x3FAF] =	sst s2  }
0xb: {  	[smem:$0x3FB0] =	sst s3  }
0xc: {  	[smem:$0x3FB1] =	sst s4  }
0xd: {  	[smem:$0x3FB2] =	sst s5  }
0xe: {  	[smem:$0x3FB3] =	sst s6  }
0xf: {  	[smem:$0x3FB4] =	sst s7  }
0x10: {  	[smem:$0x3FB5] =	sst s8  }
0x11: {  	[smem:$0x3FB6] =	sst s9;
	s0 =	simm.s32 @!p0 $0x0  }
0x12: {  	s1 =	sld [smem:$0x3F9C];
	s0 =	simm.s32 @p0 $0x1  }
0x13: {  	[smem:$0x3FB7] =	sst s0;
	s0 =	simm.s32 @!p1 $0x0  }
0x14: {  	s2 =	sld [smem:$0x3F9B];
	s0 =	simm.s32 @p1 $0x1  }
0x15: {  	[smem:$0x3FB8] =	sst s0;
	s0 =	simm.s32 @!p2 $0x0  }
0x16: {  	s3 =	sld [smem:$0x3FDB];
	s0 =	simm.s32 @p2 $0x1  }
0x17: {  	s4 =	simm.s32 $0x1BF5;
	[smem:$0x3FBA] =	sst s0  }
0x18: {  	s0 =	sld [smem:$0x3F9D];
	_ =	swait.ge [sflag:s4], $0x0  }
0x19: {  	s7 =	sld [smem:$0x3F9E]  }
0x1a: {  	s8 =	sadd.s32 $0xFFFFE003, lr  }
0x1b: {  	s9 =	sadd.s32 $0xFFFFFEF7, lr;
	s5 =	simm.s32 $0xFFFFFFFF;
	p2 =	slt.u32 s8, $0xFFFFF086  }
0x1c: {  	p1 =	slt.u32 s9, $0xF7A;
	s5 =	simm.s32 @!p2 $0x0  }
0x1d: {  	s5 =	simm.s32 @p1 $0x1;
	p0 =	seq.s32 s7, s2  }
0x1e: {  	s7 =	smul.u32 @!p0 $0xF7A, s2;
	p2 =	seq.s32 @!p0 s5, $0x0  }
0x1f: {  	s9 =	smul.u32 $0xF7A, s1;
	s8 =	simm.s32 @!p0 $0x1BF5;
	p2 =	por !p2, p0  }
0x20: {  	[sflag:s8] =	ssyncset.s32 @!p0 $0xFFFFF086;
	s6 =	sadd.s32 @!p0 s3, s7;
	s7 =	simm.s32 @!p0 $0x108  }
0x21: {  	s3 =	sadd.s32 s3, s9;
	s6 =	sadd.s32 @!p0 $0x88, s6;
	s7 =	simm.s32 @p2 $0x1082  }
0x22: {  	[simem:s7], [sflag:s8] =	dma.local @!p0 [hbm:s6], $0xF7A  }
0x23: {  	s9 =	sor.u32 $0xD0000000, s2;
	s6 =	simm.s32 $0x108;
	_ =	swait.ge @!p0 [sflag:s8], $0x0  }
0x24: {  	s3 =	sadd.s32 $0x88, s3;
	s6 =	simm.s32 @!p1 $0x1082;
	[sflag:s4] =	ssyncset.s32 $0xFFFFF086  }
0x25: {  	[simem:s6], [sflag:s4] =	dma.local [hbm:s3], $0xF7A  }
0x26: {  	[smem:$0x3F9E] =	sst s1;
	(tag) =	ssettag s2;
	_ =	strace s9  }
0x27: {  	s1 =	sld [smem:$0x3FAE]  }
0x28: {  	s2 =	sld [smem:$0x3FAF]  }
0x29: {  	s4 =	sld [smem:$0x3FB1]  }
0x2a: {  	p0 =	seq.s32 s5, $0x0;
	s5 =	sld [smem:$0x3FB2]  }
0x2b: {  	s6 =	sld [smem:$0x3FB3]  }
0x2c: {  	s7 =	sld [smem:$0x3FB4]  }
0x2d: {  	s3 =	simm.s32 $0x108;
	s8 =	sld [smem:$0x3FB5]  }
0x2e: {  	s3 =	simm.s32 @!p0 $0x1082;
	s9 =	sld [smem:$0x3FB6]  }
0x2f: {  	lr =	sadd.s32 s0, s3;
	s0 =	sld [smem:$0x3FAD]  }
0x30: {  	s3 =	sld [smem:$0x3FB0]  }
0x31: {  	[smem:$0x3FB9] =	sst s10  }
0x32: {  	s10 =	sld [smem:$0x3FB7];
	_ =	sdelay $0x3  }
0x33: {  	p0 =	seq.s32 s10, $0x1;
	s10 =	sld [smem:$0x3FB9];
	_ =	sdelay $0x3  }
0x34: {  	[smem:$0x3FB9] =	sst s10  }
0x35: {  	s10 =	sld [smem:$0x3FB8];
	_ =	sdelay $0x3  }
0x36: {  	p1 =	seq.s32 s10, $0x1;
	s10 =	sld [smem:$0x3FB9];
	_ =	sdelay $0x3  }
0x37: {  	[smem:$0x3FB9] =	sst s10  }
0x38: {  	s10 =	sld [smem:$0x3FBA]  }
0x39: {  	_ = 	snop;
	(pc) =	sbr.ind lr, $3  }
0x3a: {  	_ = 	snop  }
0x3b: {  	_ = 	snop  }
0x3c: {  	p2 =	seq.s32 s10, $0x1;
	s10 =	sld [smem:$0x3FB9]  }
0x3d: {  	_ =	shalt  }
0x3e: {  	_ =	shalt  }
0x3f: {  	_ =	shalt  }
0x40: {  	_ =	shalt  }
0x41: {  	_ =	shalt  }
0x42: {  	_ =	shalt  }
0x43: {  	_ =	shalt  }
0x44: {  	_ =	shalt  }
0x45: {  	_ =	shalt  }
0x46: {  	_ =	shalt  }
0x47: {  	_ =	shalt  }
0x48: {  	_ =	shalt  }
0x49: {  	_ =	shalt  }
0x4a: {  	_ =	shalt  }
0x4b: {  	_ =	shalt  }
0x4c: {  	_ =	shalt  }
0x4d: {  	_ =	shalt  }
0x4e: {  	_ =	shalt  }
0x4f: {  	_ =	shalt  }
0x50: {  	_ =	shalt  }
0x51: {  	_ =	shalt  }
0x52: {  	_ =	shalt  }
0x53: {  	_ =	shalt  }
0x54: {  	_ =	shalt  }
0x55: {  	_ =	shalt  }
0x56: {  	_ =	shalt  }
0x57: {  	_ =	shalt  }
0x58: {  	_ =	shalt  }
0x59: {  	_ =	shalt  }
0x5a: {  	_ =	shalt  }
0x5b: {  	_ =	shalt  }
0x5c: {  	_ =	shalt  }
0x5d: {  	_ =	shalt  }
0x5e: {  	_ =	shalt  }
0x5f: {  	_ =	shalt  }
0x60: {  	_ =	shalt  }
0x61: {  	_ =	shalt  }
0x62: {  	_ =	shalt  }
0x63: {  	_ =	shalt  }
0x64: {  	_ =	shalt  }
0x65: {  	_ =	shalt  }
0x66: {  	_ =	shalt  }
0x67: {  	_ =	shalt  }
0x68: {  	_ =	shalt  }
0x69: {  	_ =	shalt  }
0x6a: {  	_ =	shalt  }
0x6b: {  	_ =	shalt  }
0x6c: {  	_ =	shalt  }
0x6d: {  	_ =	shalt  }
0x6e: {  	_ =	shalt  }
0x6f: {  	_ =	shalt  }
0x70: {  	_ =	shalt  }
0x71: {  	_ =	shalt  }
0x72: {  	_ =	shalt  }
0x73: {  	_ =	shalt  }
0x74: {  	_ =	shalt  }
0x75: {  	_ =	shalt  }
0x76: {  	_ =	shalt  }
0x77: {  	_ =	shalt  }
0x78: {  	_ =	shalt  }
0x79: {  	_ =	shalt  }
0x7a: {  	_ =	shalt  }
0x7b: {  	_ =	shalt  }
0x7c: {  	_ =	shalt  }
0x7d: {  	_ =	shalt  }
0x7e: {  	_ =	shalt  }
0x7f: {  	_ =	shalt  }
0x80: {  	_ =	shalt  }
0x81: {  	_ =	shalt  }
0x82: {  	_ =	shalt  }
0x83: {  	_ =	shalt  }
0x84: {  	_ =	shalt  }
0x85: {  	_ =	shalt  }
0x86: {  	_ =	shalt  }
0x87: {  	_ =	shalt  }
.Lfunc_end0:
.L_simem_size_0:
called_computation.1_lowered:
.L_overlay_start_0:
0x88: {  	s2 =	sld [smem:$0x3FD9]  }
0x89: {  	s3 =	sld [smem:$0x3FFE];
	_ =	sdelay $0x1  }
0x8a: {  	s1 =	srdreg.scid  }
0x8b: {  	s0 =	sand.u32 $0x1, s1  }
0x8c: {  	s14 =	sshll.u32 s0, $0xA;
	s2 =	sadd.s32 s3, s2  }
0x8d: {  	s2 =	sadd.s32 s2, s14  }
0x8e: {  	[smem:$0x3FC5] =	sst s2  }
0x8f: {  	_ = 	snop  }
0x90: {  	s2 =	sld [smem:$0x3FD0];
	_ =	sdelay $0x2  }
0x91: {  	s15 =	simm.s32 $0xA;
	s4 =	simm.s32 $0x10  }
0x92: {  	[smem:s4], [sflag:s15] =	dma.local [hbm:s2], $0x1  }
0x93: {  	_ =	swait.eq [sflag:s15], $0x1  }
0x94: {  	[sflag:s15] =	ssyncset.done $0x0  }
0x95: {  	s16 =	sld [smem:$0x10];
	[sflag:s15] =	ssyncadd.s32 $0xFFFFFFFF  }
0x96: {  	s17 =	sld [smem:$0x12];
	(tm) =	ssettm $0x1  }
0x97: {  	s18 =	sld [smem:$0x3FFB];
	_ =	sdelay $0x3  }
0x98: {  	_ =	strace s18  }
0x99: {  	s4 =	sld [smem:$0x3FFC];
	_ =	sdelay $0x3  }
0x9a: {  	_ =	strace s4  }
0x9b: {  	s4 =	sld [smem:$0x3FFD];
	_ =	sdelay $0x3  }
0x9c: {  	_ =	strace s4  }
0x9d: {  	_ =	strace $0x8FFFFFFF  }
0x9e: {  	s19 =	sld [smem:$0x3FDB];
	_ =	sdelay $0x1  }
0x9f: {  	s5 =	simm.s32 $_scs_section_size  }
0xa0: {  	s6 =	simm.s32 $_size__tile_overlayer_lowered;
	s7 =	simm.s32 $_tile_overlayer_lowered  }
0xa1: {  	s22 =	simm.s32 $0x1BFF;
	s21 =	sshll.u32 s7, $0x1;
	s4 =	sadd.s32 s5, s19  }
0xa2: {  	s8 =	simm.s32 $0x0;
	s20 =	sshll.u32 s6, $0x1;
	s6 =	sadd.s32 s21, s4  }
0xa3: {  	[timem:s8], [sflag:s22] =	dma.local [hbm:s6], s20  }
0xa4: {  	_ =	swait.ge [sflag:s22], s20  }
0xa5: {  	s5 =	ssub.s32 $0x0, s20;
	[sflag:s22] =	ssyncset.done $0x0  }
0xa6: {  	[sflag:s22] =	ssyncadd.s32 s5;
	_ =	sdelay $0x1  }
0xa7: {  	s23 =	simm.s32 $0x1B8B  }
0xa8: {  	_ =	swait.ge [sflag:s23], $0x1  }
0xa9: {  	[sflag:s23] =	ssyncset.done $0x0  }
0xaa: {  	s25 =	simm.s32 $0x1B8E;
	s24 =	sld [smem:$0x3FFE];
	[sflag:s23] =	ssyncadd.s32 $0xFFFFFFFF  }
0xab: {  	s26 =	simm.s32 $execute0_lowered;
	[smem:$0x3FD2] =	sst s25  }
0xac: {  	s6 =	sshll.u32 s26, $0x1;
	_ =	strace $0x80000046;
	[dreg:$0x1] =	wrdreg $0xFFFFFFFF  }
0xad: {  	s28 =	simm.s32 $_size_execute0_lowered;
	s4 =	sadd.s32 s4, s6;
	[dreg:$0x0] =	wrdreg $0x0  }
0xae: {  	s6 =	sshll.u32 s28, $0x1;
	[dreg:$0x2] =	wrdreg s4  }
0xaf: {  	[dreg:$0x3] =	wrdreg s6  }
0xb0: {  	[dreg:$0x4] =	wrdreg $0xC0  }
0xb1: {  	_ =	task [dreg:s8], $0x5FFFF  }
0xb2: {  	[dreg:$0x1] =	wrdreg $0xFFFFFFFF  }
0xb3: {  	[dreg:$0x0] =	wrdreg $0x60  }
0xb4: {  	[dreg:$0x2] =	wrdreg s24  }
0xb5: {  	[dreg:$0x3] =	wrdreg s17  }
0xb6: {  	[dreg:$0x4] =	wrdreg s16  }
0xb7: {  	[dreg:$0x5] =	wrdreg $0x9  }
0xb8: {  	_ =	task.clear_ibuf [dreg:s8], $0x6FFFF;
	_ =	strace $0x90000046  }
0xb9: {  	s29 =	simm.s32 $0x9;
	_ =	strace $0x80000048  }
0xba: {  	_ =	swait.ge [sflag:s29], $0x1  }
0xbb: {  	[sflag:s29] =	ssyncadd.s32 $0xFFFFFFFF  }
0xbc: {  	_ =	strace $0x90000048  }
0xbd: {  	_ =	sfence  }
0xbe: {  	s30 =	sld [smem:$0x0];
	_ =	sdelay $0x2  }
0xbf: {  	s31 =	sshll.u32 s1, $0xD;
	s1 =	sshrl.u32 s1, $0x2  }
0xc0: {  	s3 =	sand.u32 $0x4000, s31;
	s1 =	sadd.s32 s1, s30  }
0xc1: {  	s0 =	sor.u32 s3, s0;
	s1 =	sshll.u32 s1, $0x11  }
0xc2: {  	s0 =	sor.u32 s1, s0  }
0xc3: {  	s0 =	sadd.s32 $0x8F2B, s0  }
0xc4: {  	[sflag:s0] =	ssyncadd.remote.s32 $0x1  }
0xc5: {  	_ =	sfence.sel $0xFFFF  }
0xc6: {  	[dreg:$0x0] =	wrdreg $0xFFFFFFFF;
	(pc) =	sbr.abs _section_cstart, $3  }
0xc7: {  	[dreg:$0x1] =	wrdreg $0xFFFFFFFF  }
0xc8: {  	_ =	task.clear_ibuf [dreg:s8], $0x2FFFF;
	_ =	strace $0x9FFFFFFF  }
0xc9: {  	(tm) =	ssettm $0x7FFFFFFF  }
tec
execute0_lowered:
.L_overlay_start_1:
0x0: {  	(tag) =	ssettag $0x1  }
0x1: {  	s0 =	rddreg [dreg:$0x0]  }
0x2: {  	s1 =	rddreg [dreg:$0x1];
	s3 =	simm.s32 $0x0;
	s2 =	srdreg.scid  }
0x3: {  	s4 =	stileid.u32;
	s12 =	simm.s32 $0x28;
	s13 =	simm.s32 $0x1900  }
0x4: {  	s14 =	simm.s32 $0x7D00;
	s15 =	simm.s32 $0xE100;
	s21 =	simm.s32 $0xA500  }
0x5: {  	s22 =	simm.s32 $0x10900;
	s23 =	simm.s32 $0x16D00;
	s24 =	simm.s32 $0x5500  }
0x6: {  	s25 =	simm.s32 $0xB900;
	s28 =	simm.s32 $0x18100;
	s29 =	simm.s32 $0x6900  }
0x7: {  	s30 =	simm.s32 $0xCD00;
	s31 =	simm.s32 $0x13100;
	s10 =	simm.s32 $0x190  }
0x8: {  	s11 =	simm.s32 $0x2;
	s16 =	simm.s32 $0x0;
	[smem:$0x7FF] =	sst s3  }
0x9: {  	s2 =	sand.u32 $0x1, s2;
	s5 =	sshll.u32 s4, $0x1;
	s4 =	sadd.s32 $0xC00, s0  }
0xa: {  	s6 =	sadd.s32 $0x30E000, s0;
	s8 =	sor.u32 s2, s5;
	s2 =	ssub.s32 $0x2, s2  }
0xb: {  	s7 =	sadd.s32 $0x494A00, s0;
	s9 =	smul.u32 $0x320, s8;
	s26 =	sshrl.u32 s2, $0x1  }
0xc: {  	_ =	strace $0x80000047;
	s5 =	sadd.s32 $0x187600, s0;
	s0 =	ssub.s32 s2, s26  }
0xd: {  	s26 =	simm.s32 $0x11D00;
	s1 =	sadd.s32 s1, s9;
	s9 =	sshll.u32 s8, $0x5  }
0xe: {  	s0 =	smax.u32 s0, $0x1;
	s8 =	simm.s32 $0x80;
	[dreg:$0x4] =	wrdreg s1  }
0xf: {  	[dreg:$0x5] =	wrdreg s0;
	s0 =	simm.s32 $0x19500;
	s1 =	simm.s32 $0x1  }
.LBB2_1:
0x10: {  	[dreg:$0x6] =	wrdreg s16  }
0x11: {  	s2 =	rddreg [dreg:$0x4];
	s20 =	simm.s32 $0x3  }
0x12: {  	[tilespmem:s3], [sflag:$0x3] =	stream.linear.gather [hbm4b:s2+s3], $0x1900, $0x38;
	[tilespmem:$0x1A900] =	vst v63  }
0x13: {  	_ =	swait.ge [sflag:s20], $0x1900  }
0x14: {  	[sflag:s20] =	ssyncset.done $0x0  }
0x15: {  	s2 =	simm.s32 $0x0;
	[sflag:s20] =	ssyncadd.s32 $0xFFFFE700  }
.LBB2_2:
0x16: {  	s16 =	smul.u32 $0x320, s2;
	_ =	sdelay $0x1  }
0x17: {  	s17 =	sshra.s32 s16, $0x2  }
0x18: {  	[tilespmem:s13], [sflag:$0x1] =	stream.indirect.gather [hbm4b:s4+s12], $0x80, s17, s12, $0xb8;
	[tilespmem:$0x1A900] =	vst v63  }
0x19: {  	_ = 	snop  }
0x1a: {  	[tilespmem:s14], [sflag:$0x1] =	stream.indirect.gather [hbm4b:s5+s12], $0x80, s17, s12, $0xb8;
	[tilespmem:$0x1A900] =	vst v63  }
0x1b: {  	_ = 	snop  }
0x1c: {  	[tilespmem:s15], [sflag:$0x1] =	stream.indirect.gather [hbm4b:s6+s12], $0x80, s17, s12, $0xb8;
	[tilespmem:$0x1A900] =	vst v63  }
0x1d: {  	s16 =	simm.s32 $0x14500  }
0x1e: {  	[tilespmem:s16], [sflag:$0x1] =	stream.indirect.gather [hbm4b:s7+s12], $0x80, s17, s12, $0xb8;
	[tilespmem:$0x1A900] =	vst v63  }
0x1f: {  	s19 =	simm.s32 $0x2D00;
	s18 =	sadd.s32 $0x28, s17  }
0x20: {  	[tilespmem:s19], [sflag:$0x1] =	stream.indirect.gather [hbm4b:s4+s12], $0x80, s18, s12, $0xb8;
	[tilespmem:$0x1A900] =	vst v63  }
0x21: {  	s20 =	simm.s32 $0x9100  }
0x22: {  	[tilespmem:s20], [sflag:$0x1] =	stream.indirect.gather [hbm4b:s5+s12], $0x80, s18, s12, $0xb8;
	[tilespmem:$0x1A900] =	vst v63  }
0x23: {  	s20 =	simm.s32 $0xF500  }
0x24: {  	[tilespmem:s20], [sflag:$0x1] =	stream.indirect.gather [hbm4b:s6+s12], $0x80, s18, s12, $0xb8;
	[tilespmem:$0x1A900] =	vst v63  }
0x25: {  	s20 =	simm.s32 $0x15900  }
0x26: {  	[tilespmem:s20], [sflag:$0x1] =	stream.indirect.gather [hbm4b:s7+s12], $0x80, s18, s12, $0xb8;
	[tilespmem:$0x1A900] =	vst v63  }
0x27: {  	s18 =	sadd.s32 $0x50, s17;
	s20 =	simm.s32 $0x4100  }
0x28: {  	[tilespmem:s20], [sflag:$0x1] =	stream.indirect.gather [hbm4b:s4+s12], $0x80, s18, s12, $0xb8;
	[tilespmem:$0x1A900] =	vst v63  }
0x29: {  	_ = 	snop  }
0x2a: {  	[tilespmem:s21], [sflag:$0x1] =	stream.indirect.gather [hbm4b:s5+s12], $0x80, s18, s12, $0xb8;
	[tilespmem:$0x1A900] =	vst v63  }
0x2b: {  	_ = 	snop  }
0x2c: {  	[tilespmem:s22], [sflag:$0x1] =	stream.indirect.gather [hbm4b:s6+s12], $0x80, s18, s12, $0xb8;
	[tilespmem:$0x1A900] =	vst v63  }
0x2d: {  	_ = 	snop  }
0x2e: {  	[tilespmem:s23], [sflag:$0x1] =	stream.indirect.gather [hbm4b:s7+s12], $0x80, s18, s12, $0xb8;
	[tilespmem:$0x1A900] =	vst v63  }
0x2f: {  	s20 =	sadd.s32 $0x78, s17  }
0x30: {  	[tilespmem:s24], [sflag:$0x1] =	stream.indirect.gather [hbm4b:s4+s12], $0x80, s20, s12, $0xb8;
	[tilespmem:$0x1A900] =	vst v63  }
0x31: {  	_ = 	snop  }
0x32: {  	[tilespmem:s25], [sflag:$0x1] =	stream.indirect.gather [hbm4b:s5+s12], $0x80, s20, s12, $0xb8;
	[tilespmem:$0x1A900] =	vst v63  }
0x33: {  	_ = 	snop  }
0x34: {  	[tilespmem:s26], [sflag:$0x1] =	stream.indirect.gather [hbm4b:s6+s12], $0x80, s20, s12, $0xb8;
	[tilespmem:$0x1A900] =	vst v63  }
0x35: {  	_ = 	snop  }
0x36: {  	[tilespmem:s28], [sflag:$0x1] =	stream.indirect.gather [hbm4b:s7+s12], $0x80, s20, s12, $0xb8;
	[tilespmem:$0x1A900] =	vst v63  }
0x37: {  	s17 =	sadd.s32 $0xA0, s17  }
0x38: {  	[tilespmem:s29], [sflag:$0x1] =	stream.indirect.gather [hbm4b:s4+s12], $0x80, s17, s12, $0xb8;
	[tilespmem:$0x1A900] =	vst v63  }
0x39: {  	_ = 	snop  }
0x3a: {  	[tilespmem:s30], [sflag:$0x1] =	stream.indirect.gather [hbm4b:s5+s12], $0x80, s17, s12, $0xb8;
	[tilespmem:$0x1A900] =	vst v63  }
0x3b: {  	_ = 	snop  }
0x3c: {  	[tilespmem:s31], [sflag:$0x1] =	stream.indirect.gather [hbm4b:s6+s12], $0x80, s17, s12, $0xb8;
	[tilespmem:$0x1A900] =	vst v63  }
0x3d: {  	_ = 	snop  }
0x3e: {  	[tilespmem:s0], [sflag:$0x1] =	stream.indirect.gather [hbm4b:s7+s12], $0x80, s17, s12, $0xb8;
	[tilespmem:$0x1A900] =	vst v63  }
0x3f: {  	_ =	swait.ge [sflag:s1], $0x1400  }
0x40: {  	[sflag:s1] =	ssyncset.done $0x0  }
0x41: {  	[sflag:s1] =	ssyncadd.s32 $0xFFFFEC00  }
0x42: {  	_ =	swait.ge [sflag:s1], $0x1400  }
0x43: {  	[sflag:s1] =	ssyncset.done $0x0  }
0x44: {  	[sflag:s1] =	ssyncadd.s32 $0xFFFFEC00  }
0x45: {  	_ =	swait.ge [sflag:s1], $0x1400  }
0x46: {  	[sflag:s1] =	ssyncset.done $0x0  }
0x47: {  	[sflag:s1] =	ssyncadd.s32 $0xFFFFEC00  }
0x48: {  	_ =	swait.ge [sflag:s1], $0x1400  }
0x49: {  	[sflag:s1] =	ssyncset.done $0x0  }
0x4a: {  	[sflag:s1] =	ssyncadd.s32 $0xFFFFEC00  }
0x4b: {  	_ =	swait.ge [sflag:s1], $0x1400  }
0x4c: {  	[sflag:s1] =	ssyncset.done $0x0  }
0x4d: {  	[sflag:s1] =	ssyncadd.s32 $0xFFFFEC00  }
0x4e: {  	_ =	swait.ge [sflag:s1], $0x1400  }
0x4f: {  	[sflag:s1] =	ssyncset.done $0x0  }
0x50: {  	[sflag:s1] =	ssyncadd.s32 $0xFFFFEC00  }
0x51: {  	_ =	swait.ge [sflag:s1], $0x1400  }
0x52: {  	[sflag:s1] =	ssyncset.done $0x0  }
0x53: {  	[sflag:s1] =	ssyncadd.s32 $0xFFFFEC00  }
0x54: {  	_ =	swait.ge [sflag:s1], $0x1400  }
0x55: {  	[sflag:s1] =	ssyncset.done $0x0  }
0x56: {  	[sflag:s1] =	ssyncadd.s32 $0xFFFFEC00  }
0x57: {  	_ =	swait.ge [sflag:s1], $0x1400  }
0x58: {  	[sflag:s1] =	ssyncset.done $0x0  }
0x59: {  	[sflag:s1] =	ssyncadd.s32 $0xFFFFEC00  }
0x5a: {  	_ =	swait.ge [sflag:s1], $0x1400  }
0x5b: {  	[sflag:s1] =	ssyncset.done $0x0  }
0x5c: {  	[sflag:s1] =	ssyncadd.s32 $0xFFFFEC00  }
0x5d: {  	_ =	swait.ge [sflag:s1], $0x1400  }
0x5e: {  	[sflag:s1] =	ssyncset.done $0x0  }
0x5f: {  	[sflag:s1] =	ssyncadd.s32 $0xFFFFEC00  }
0x60: {  	_ =	swait.ge [sflag:s1], $0x1400  }
0x61: {  	[sflag:s1] =	ssyncset.done $0x0  }
0x62: {  	[sflag:s1] =	ssyncadd.s32 $0xFFFFEC00  }
0x63: {  	_ =	swait.ge [sflag:s1], $0x1400  }
0x64: {  	[sflag:s1] =	ssyncset.done $0x0  }
0x65: {  	[sflag:s1] =	ssyncadd.s32 $0xFFFFEC00  }
0x66: {  	_ =	swait.ge [sflag:s1], $0x1400  }
0x67: {  	[sflag:s1] =	ssyncset.done $0x0  }
0x68: {  	[sflag:s1] =	ssyncadd.s32 $0xFFFFEC00  }
0x69: {  	_ =	swait.ge [sflag:s1], $0x1400  }
0x6a: {  	[sflag:s1] =	ssyncset.done $0x0  }
0x6b: {  	[sflag:s1] =	ssyncadd.s32 $0xFFFFEC00  }
0x6c: {  	_ =	swait.ge [sflag:s1], $0x1400  }
0x6d: {  	[sflag:s1] =	ssyncset.done $0x0  }
0x6e: {  	[sflag:s1] =	ssyncadd.s32 $0xFFFFEC00  }
0x6f: {  	_ =	swait.ge [sflag:s1], $0x1400  }
0x70: {  	[sflag:s1] =	ssyncset.done $0x0  }
0x71: {  	[sflag:s1] =	ssyncadd.s32 $0xFFFFEC00  }
0x72: {  	_ =	swait.ge [sflag:s1], $0x1400  }
0x73: {  	[sflag:s1] =	ssyncset.done $0x0  }
0x74: {  	[sflag:s1] =	ssyncadd.s32 $0xFFFFEC00  }
0x75: {  	_ =	swait.ge [sflag:s1], $0x1400  }
0x76: {  	[sflag:s1] =	ssyncset.done $0x0  }
0x77: {  	[sflag:s1] =	ssyncadd.s32 $0xFFFFEC00  }
0x78: {  	_ =	swait.ge [sflag:s1], $0x1400  }
0x79: {  	s18 =	sadd.s32 s9, s2;
	[sflag:s1] =	ssyncset.done $0x0  }
0x7a: {  	s17 =	smul.u32 $0x2710, s18;
	[sflag:s1] =	ssyncadd.s32 $0xFFFFEC00  }
0x7b: {  	s19 =	rddreg [dreg:$0x2]  }
0x7c: {  	s17 =	sadd.s32 s19, s17  }
0x7d: {  	[hbm4b:s17+s8] =	stream.strided.scatter [tilespmem:s13], [sflag:$0x2], $0x6400, s10, s8, $0x38;
	[tilespmem:$0x1A900] =	vst v63  }
0x7e: {  	s18 =	sadd.s32 $0x10, s17  }
0x7f: {  	[hbm4b:s18+s8] =	stream.strided.scatter [tilespmem:s14], [sflag:$0x2], $0x6400, s10, s8, $0x38;
	[tilespmem:$0x1A900] =	vst v63  }
0x80: {  	s20 =	sadd.s32 $0x20, s17;
	s17 =	sadd.s32 $0x30, s17  }
0x81: {  	[hbm4b:s20+s8] =	stream.strided.scatter [tilespmem:s15], [sflag:$0x2], $0x6400, s10, s8, $0x38;
	[tilespmem:$0x1A900] =	vst v63  }
0x82: {  	s19 =	simm.s32 $0x14580;
	s18 =	simm.s32 $0x32;
	s20 =	sadd.s32 $0x0, s17  }
.LBB2_3:
0x83: {  	[hbm4b:s20+s3] =	stream.linear.scatter [tilespmem:s16], [sflag:$0x2], $0x10, $0x38;
	[tilespmem:$0x1A900] =	vst v63  }
0x84: {  	s20 =	smov.u32 s18;
	s16 =	smov.u32 s19;
	p0 =	sne.s32 s18, $0x26DE  }
.Ltmp0:
0x85: {  	s18 =	sadd.s32 $0x32, s18;
	(pc) =	sbr.rel @p0 .LBB2_3-.Ltmp0, $2  }
0x86: {  	_ =	sdelay $0x2  }
0x87: {  	s19 =	sadd.s32 $0x80, s19;
	s20 =	sadd.s32 s20, s17  }
0x88: {  	[hbm4b:s20+s3] =	stream.linear.scatter [tilespmem:s16], [sflag:$0x2], $0x10, $0x38;
	[tilespmem:$0x1A900] =	vst v63  }
0x89: {  	_ =	swait.ge [sflag:s11], $0x6400  }
0x8a: {  	[sflag:s11] =	ssyncset.done $0x0  }
0x8b: {  	[sflag:s11] =	ssyncadd.s32 $0xFFFF9C00  }
0x8c: {  	_ =	swait.ge [sflag:s11], $0x6400  }
0x8d: {  	[sflag:s11] =	ssyncset.done $0x0  }
0x8e: {  	s2 =	sadd.s32 $0x1, s2;
	[sflag:s11] =	ssyncadd.s32 $0xFFFF9C00  }
0x8f: {  	p0 =	sne.s32 s2, $0x20;
	_ =	swait.ge [sflag:s11], $0x6400  }
.Ltmp1:
0x90: {  	[sflag:s11] =	ssyncset.done $0x0;
	(pc) =	sbr.rel @p0 .LBB2_2-.Ltmp1, $4  }
0x91: {  	[sflag:s11] =	ssyncadd.s32 $0xFFFF9C00  }
0x92: {  	_ =	swait.ge [sflag:s11], $0xC80  }
0x93: {  	[sflag:s11] =	ssyncset.done $0x0  }
0x94: {  	[sflag:s11] =	ssyncadd.s32 $0xFFFFF380  }
0x95: {  	s16 =	rddreg [dreg:$0x6]  }
0x96: {  	s2 =	rddreg [dreg:$0x5];
	s16 =	sadd.s32 $0x1, s16  }
0x97: {  	p0 =	sne.s32 s16, s2  }
.Ltmp2:
0x98: {  	_ = 	snop;
	(pc) =	sbr.rel @p0 .LBB2_1-.Ltmp2, $1  }
0x99: {  	_ =	sdelay $0x3  }
0x9a: {  	_ =	sfence.sel $0x180000  }
0x9b: {  	[bflag:$0x0] =	sbarrier.arrive $0xFFFF  }
0x9c: {  	_ =	strace $0x90000047  }
0x9d: {  	s0 =	stileid.u32;
	[bflag:$0x2] =	sbarrier.arrive $0xFFFF  }
0x9e: {  	p0 =	sne.s32 s0, $0x0;
	s0 =	rddreg [dreg:$0x3]  }
0x9f: {  	s0 =	sadd.s32 @!p0 $0x100000, s0  }
0xa0: {  	[sflag:s0] =	ssyncadd.tile.s32 @!p0 $0x1;
	_ =	shalt  }
.Lfunc_end2:
_tile_overlayer_lowered:
.L_overlay_start_2:
0xa1: {  	(tag) =	ssettag $0x2  }
0xa2: {  	s0 =	rddreg [dreg:$0x0];
	s2 =	stileid.u32  }
0xa3: {  	s1 =	rddreg [dreg:$0x1];
	p0 =	sne.s32 s2, $0x0  }
0xa4: {  	s3 =	rddreg [dreg:$0x2];
	[bflag:$0x3] =	sbarrier.arrive $0xFFFF;
	s2 =	simm.s32 @!p0 $0x1C03  }
0xa5: {  	[timem:s3], [sflag:s2] =	dma.local @!p0 [hbm:s0], s1  }
0xa6: {  	s0 =	simm.s32 @!p0 $0x3  }
0xa7: {  	_ =	swait.ge @!p0 [sflag:s0], s1  }
0xa8: {  	s1 =	ssub.s32 @!p0 $0x0, s1;
	[sflag:s0] =	ssyncset.done @!p0 $0x0  }
0xa9: {  	[sflag:s0] =	ssyncadd.s32 @!p0 s1  }
0xaa: {  	[bflag:$0x3] =	sbarrier.arrive $0xFFFF  }
0xab: {  	_ =	shalt  }

// kernel: sparse-core-data-format-call.cloned.1.call-start
scs
called_computation_lowered:
.L_overlay_start_0:
0x0: {  	s2 =	sld [smem:$0x3FD9]  }
0x1: {  	s3 =	sld [smem:$0x3FFE];
	_ =	sdelay $0x1  }
0x2: {  	s1 =	srdreg.scid  }
0x3: {  	s0 =	sand.u32 $0x1, s1  }
0x4: {  	s15 =	sshll.u32 s0, $0xA;
	s2 =	sadd.s32 s3, s2  }
0x5: {  	s2 =	sadd.s32 s2, s15  }
0x6: {  	[smem:$0x3FC5] =	sst s2  }
0x7: {  	_ = 	snop  }
0x8: {  	s2 =	sld [smem:$0x3FD0];
	_ =	sdelay $0x2  }
0x9: {  	s16 =	simm.s32 $0xA;
	s4 =	simm.s32 $0x10  }
0xa: {  	[smem:s4], [sflag:s16] =	dma.local [hbm:s2], $0x1  }
0xb: {  	_ =	swait.eq [sflag:s16], $0x1  }
0xc: {  	[sflag:s16] =	ssyncset.done $0x0  }
0xd: {  	[sflag:s16] =	ssyncadd.s32 $0xFFFFFFFF  }
0xe: {  	s17 =	sld [smem:$0x10];
	(tm) =	ssettm $0x1  }
0xf: {  	s18 =	sld [smem:$0x3FFB];
	_ =	sdelay $0x3  }
0x10: {  	_ =	strace s18  }
0x11: {  	s3 =	sld [smem:$0x3FFC];
	_ =	sdelay $0x3  }
0x12: {  	_ =	strace s3  }
0x13: {  	s3 =	sld [smem:$0x3FFD];
	_ =	sdelay $0x3  }
0x14: {  	_ =	strace s3  }
0x15: {  	_ =	strace $0x8FFFFFFF  }
0x16: {  	s19 =	sld [smem:$0x3FDB];
	_ =	sdelay $0x1  }
0x17: {  	s20 =	simm.s32 $_scs_section_size  }
0x18: {  	s5 =	simm.s32 $_size__tile_overlayer_lowered;
	s6 =	simm.s32 $_tile_overlayer_lowered  }
0x19: {  	s23 =	simm.s32 $0x1BFF;
	s22 =	sshll.u32 s6, $0x1;
	s3 =	sadd.s32 s20, s19  }
0x1a: {  	s7 =	simm.s32 $0x0;
	s21 =	sshll.u32 s5, $0x1;
	s5 =	sadd.s32 s22, s3  }
0x1b: {  	[timem:s7], [sflag:s23] =	dma.local [hbm:s5], s21  }
0x1c: {  	_ =	swait.ge [sflag:s23], s21  }
0x1d: {  	s4 =	ssub.s32 $0x0, s21;
	[sflag:s23] =	ssyncset.done $0x0  }
0x1e: {  	[sflag:s23] =	ssyncadd.s32 s4;
	_ =	sdelay $0x1  }
0x1f: {  	s24 =	simm.s32 $0x1B8B  }
0x20: {  	_ =	swait.ge [sflag:s24], $0x1  }
0x21: {  	[sflag:s24] =	ssyncset.done $0x0  }
0x22: {  	s26 =	simm.s32 $0x1B8E;
	s25 =	sld [smem:$0x3FFE];
	[sflag:s24] =	ssyncadd.s32 $0xFFFFFFFF  }
0x23: {  	s27 =	simm.s32 $execute0_lowered;
	[smem:$0x3FD2] =	sst s26  }
0x24: {  	s5 =	sshll.u32 s27, $0x1;
	_ =	strace $0x80000049;
	[dreg:$0x1] =	wrdreg $0xFFFFFFFF  }
0x25: {  	s28 =	simm.s32 $_size_execute0_lowered;
	s3 =	sadd.s32 s3, s5;
	[dreg:$0x0] =	wrdreg $0x0  }
0x26: {  	s5 =	sshll.u32 s28, $0x1;
	[dreg:$0x2] =	wrdreg s3  }
0x27: {  	[dreg:$0x3] =	wrdreg s5  }
0x28: {  	[dreg:$0x4] =	wrdreg $0xC0  }
0x29: {  	_ =	task [dreg:s7], $0x5FFFF  }
0x2a: {  	[dreg:$0x1] =	wrdreg $0xFFFFFFFF  }
0x2b: {  	[dreg:$0x0] =	wrdreg $0x60  }
0x2c: {  	[dreg:$0x2] =	wrdreg s25  }
0x2d: {  	[dreg:$0x3] =	wrdreg s17  }
0x2e: {  	[dreg:$0x4] =	wrdreg $0x9  }
0x2f: {  	_ =	task.clear_ibuf [dreg:s7], $0x5FFFF;
	_ =	strace $0x90000049  }
0x30: {  	s29 =	simm.s32 $0x9;
	_ =	strace $0x8000004B  }
0x31: {  	_ =	swait.ge [sflag:s29], $0x1  }
0x32: {  	[sflag:s29] =	ssyncadd.s32 $0xFFFFFFFF  }
0x33: {  	_ =	strace $0x9000004B  }
0x34: {  	_ =	sfence  }
0x35: {  	s30 =	sld [smem:$0x0];
	_ =	sdelay $0x2  }
0x36: {  	s31 =	sshll.u32 s1, $0xD;
	s1 =	sshrl.u32 s1, $0x2  }
0x37: {  	s3 =	sand.u32 $0x4000, s31;
	s1 =	sadd.s32 s1, s30  }
0x38: {  	s0 =	sor.u32 s3, s0;
	s1 =	sshll.u32 s1, $0x11  }
0x39: {  	s0 =	sor.u32 s1, s0  }
0x3a: {  	s0 =	sadd.s32 $0x8F2B, s0  }
0x3b: {  	[sflag:s0] =	ssyncadd.remote.s32 $0x1  }
0x3c: {  	_ =	sfence.sel $0xFFFF  }
0x3d: {  	[dreg:$0x0] =	wrdreg $0xFFFFFFFF;
	(pc) =	sbr.abs _section_cstart, $3  }
0x3e: {  	[dreg:$0x1] =	wrdreg $0xFFFFFFFF  }
0x3f: {  	_ =	task.clear_ibuf [dreg:s7], $0x2FFFF;
	_ =	strace $0x9FFFFFFF  }
0x40: {  	(tm) =	ssettm $0x7FFFFFFF  }
0x41: {  	_ =	shalt  }
tec
execute0_lowered:
.L_overlay_start_1:
0x0: {  	(tag) =	ssettag $0x1  }
0x1: {  	s4 =	rddreg [dreg:$0x0]  }
0x2: {  	s2 =	rddreg [dreg:$0x1]  }
0x3: {  	s0 =	stileid.u32;
	s1 =	rddreg [dreg:$0x2];
	_ =	strace $0x8000004A  }
0x4: {  	s5 =	srdreg.scid;
	s10 =	simm.s32 $0x2;
	s17 =	simm.s32 $0x0  }
0x5: {  	s18 =	simm.s32 $0x0;
	s19 =	simm.s32 $0x0;
	s11 =	simm.s32 $0x0  }
0x6: {  	s12 =	simm.s32 $0x0;
	s13 =	simm.s32 $0x0;
	s3 =	sshll.u32 s0, $0x7  }
0x7: {  	s14 =	simm.s32 $0x0;
	s5 =	sshll.u32 s5, $0x4;
	s3 =	sand.u32 $0x380, s3  }
0x8: {  	s16 =	simm.s32 $0x0;
	s5 =	sand.u32 $0x10, s5;
	s6 =	ssub.s32 $0x400, s3  }
0x9: {  	s4 =	sadd.s32 $0xC35C00, s4;
	s8 =	sor.u32 s0, s5;
	s7 =	sand.u32 $0x380, s6  }
0xa: {  	s5 =	simm.s32 $0x1;
	p0 =	sne.s32 s7, $0x0;
	s7 =	simm.s32 $0x1  }
.Ltmp0:
0xb: {  	s6 =	sshrl.u32 s6, $0xA;
	s7 =	simm.s32 @!p0 $0x0;
	(pc) =	sbr.rel .LBB1_1-.Ltmp0, $4  }
0xc: {  	s15 =	smov.u32 s3;
	s9 =	sshll.u32 s8, $0x4;
	s6 =	sadd.s32 s7, s6  }
0xd: {  	[sflag:s5] =	ssyncpa.u1 $0x0;
	s8 =	sshll.u32 s8, $0x7;
	s6 =	smul.u32 $0xC8, s6  }
0xe: {  	[sflag:s10] =	ssyncpa.u1 $0x0;
	s8 =	sand.u32 $0xC00, s8;
	s10 =	simm.s32 $0x2000  }
0xf: {  	p0 =	por $0x0, $0x0;
	s7 =	sand.u32 $0x180, s9;
	s9 =	sor.u32 $0x1, s6  }
.LBB1_4:
0x10: {  	s24 =	sshra.s32 s24, $0x2;
	s25 =	sshrl.u32 s13, $0x7;
	p1 =	sgt.s32 s13, $0x380  }
0x11: {  	s26 =	sshra.s32 s13, $0x1F;
	s28 =	smov.u32 s12;
	s31 =	sshra.s32 s12, $0x1F  }
0x12: {  	s23 =	sadd.s32 s24, s23;
	s30 =	sadd.s32 s25, s11;
	s25 =	smov.u32 s13  }
0x13: {  	v5 =	vld [tilespmem:s21+$0xFFFFFFD0];
	[tilespmem:s22+$0x2040 ss:$0x81] =	vst.msk $0xffff, v4;
	s26 =	sand.u32 s26, s13;
	s24 =	sand.u32 $0x3FFFFF, s30;
	s25 =	simm.s32 @!p1 $0x380  }
0x14: {  	v58 =	vld [tilespmem:s21+$0xFFFFFFE0];
	[tilespmem:s22+$0x2850 ss:$0x81] =	vst.msk $0xffff, v3;
	p1 =	sgt.s32 s12, $0xC7;
	s27 =	smulhi.u32 $0xA3D70B, s24;
	s25 =	ssub.s32 s25, s26  }
0x15: {  	v59 =	vld [tilespmem:s21+$0xFFFFFFF0];
	[tilespmem:s22+$0x3060 ss:$0x81] =	vst.msk $0xffff, v2;
	s28 =	simm.s32 @!p1 $0xC7;
	s26 =	sand.u32 s31, s12;
	p1 =	sgt.s32 s11, $0x110  }
0x16: {  	v60 =	vld [tilespmem:s21+$0x0];
	[tilespmem:s22+$0x0 ss:$0x81] =	vst.msk $0xffff, v1;
	s29 =	ssub.s32 s28, s26;
	s26 =	smov.u32 s11;
	s30 =	sadd.s32 $0xFFFFFC80, s25  }
0x17: {  	v61 =	vld [tilespmem:s21+$0x10];
	[tilespmem:s23+$0x3870 ss:$0x81] =	vst.msk $0xffff, v0;
	s25 =	ssub.s32 $0x400, s25;
	s26 =	simm.s32 @!p1 $0x110;
	p1 =	sgt.s32 s30, $0x7F  }
0x18: {  	v62 =	vld [tilespmem:s21+$0x20];
	s27 =	smul.u32 $0x190, s27;
	[tilespmem:s23+$0x810 ss:$0x81] =	vst.msk $0xffff, v5;
	s26 =	ssub.s32 $0x190, s26;
	s25 =	simm.s32 @p1 $0x0  }
0x19: {  	v63 =	vld [tilespmem:s21+$0xFFFFFFC0];
	s28 =	sshrl.u32 s13, $0x3;
	s31 =	sadd.s32 $0xFFFFFF39, s29;
	[tilespmem:s23+$0x1020 ss:$0x81] =	vst.msk $0xffff, v58;
	s25 =	smul.u32 s26, s25  }
0x1a: {  	s21 =	ssub.s32 $0xC8, s29;
	[tilespmem:s23+$0x1830 ss:$0x81] =	vst.msk $0xffff, v59;
	p1 =	sgt.s32 s31, $0x0;
	s26 =	smul.u32 $0xC800, s12  }
0x1b: {  	[tilespmem:s23+$0x2040 ss:$0x81] =	vst.msk $0xffff, v60;
	s22 =	sand.u32 $0xF, s28;
	s29 =	sand.u32 $0x7, s13;
	s21 =	simm.s32 @p1 $0x0  }
0x1c: {  	[tilespmem:s23+$0x2850 ss:$0x81] =	vst.msk $0xffff, v61;
	s24 =	ssub.s32 s24, s27;
	s21 =	smul.u32 s21, s25;
	s25 =	sadd.s32 s2, s26  }
0x1d: {  	[tilespmem:s23+$0x3060 ss:$0x81] =	vst.msk $0xffff, v62;
	s30 =	sshll.u32 s29, $0x12;
	s24 =	sshll.u32 s24, $0x7;
	s22 =	sadd.s32 s22, s25  }
0x1e: {  	[tilespmem:s23+$0x0 ss:$0x81] =	vst.msk $0xffff, v63;
	s31 =	sor.u32 $0x400, s30;
	s21 =	sand.u32 $0x3FFFFFFF, s21;
	s22 =	sadd.s32 s24, s22  }
0x1f: {  	[hbm4b:s22+s31] =	stream.strided.scatter [tilespmem:s20], [sflag:$0x2], s21, s10, s31, $0x20;
	[tilespmem:$0x10100] =	vst v63  }
.LBB1_5:
0x20: {  	p1 =	slt.u32 s16, $0x2;
	s20 =	smov.u32 s18  }
0x21: {  	s21 =	smov.u32 s19;
	p2 =	sgt.s32 @!p1 s18, $0xC7;
	p3 =	sgt.s32 @!p1 s19, $0x380  }
0x22: {  	s22 =	sshra.s32 @!p1 s19, $0x1F;
	p2 =	por !p2, p1;
	p3 =	por !p3, p1  }
0x23: {  	s19 =	sand.u32 @!p1 s22, s19;
	s20 =	simm.s32 @p2 $0xC7;
	s21 =	simm.s32 @p3 $0x380  }
0x24: {  	p2 =	sgt.s32 @!p1 s17, $0x110;
	s19 =	ssub.s32 @!p1 s21, s19;
	s21 =	sshra.s32 @!p1 s18, $0x1F  }
0x25: {  	p2 =	por !p2, p1;
	s18 =	sand.u32 @!p1 s21, s18;
	s21 =	sadd.s32 @!p1 $0xFFFFFC80, s19  }
0x26: {  	s17 =	simm.s32 @p2 $0x110;
	s18 =	ssub.s32 @!p1 s20, s18;
	p2 =	sgt.s32 @!p1 s21, $0x7F  }
0x27: {  	s19 =	ssub.s32 @!p1 $0x400, s19;
	s20 =	sadd.s32 @!p1 $0xFFFFFF39, s18;
	p2 =	por !p2, p1  }
0x28: {  	s17 =	ssub.s32 @!p1 $0x190, s17;
	s19 =	simm.s32 @!p2 $0x0;
	p2 =	sgt.s32 @!p1 s20, $0x0  }
0x29: {  	s18 =	ssub.s32 @!p1 $0xC8, s18;
	p2 =	por !p2, p1;
	s17 =	smul.u32 @!p1 s17, s19  }
0x2a: {  	s22 =	smov.u32 s15;
	s20 =	sadd.s32 $0x1, s14;
	s18 =	simm.s32 @!p2 $0x0  }
0x2b: {  	p2 =	sgt.s32 s20, $0xC7;
	s17 =	smul.u32 @!p1 s18, s17;
	s18 =	sadd.s32 $0x400, s15  }
0x2c: {  	s24 =	sadd.s32 $0x1, s16;
	s22 =	smov.u32 @p2 s18  }
0x2d: {  	p0 =	por !p0, !p0;
	s20 =	simm.s32 @p2 $0x0;
	p2 =	sgt.s32 s22, $0x3FF  }
0x2e: {  	s21 =	simm.s32 @!p1 $0x2;
	s22 =	smov.u32 @p2 s3;
	p2 =	sne.s32 s16, s9  }
.Ltmp1:
0x2f: {  	s19 =	smov.u32 s13;
	s13 =	smov.u32 s15;
	(pc) =	sbr.rel @!p2 .LBB1_6-.Ltmp1, $4  }
0x30: {  	s18 =	smov.u32 s12;
	s12 =	smov.u32 s14;
	s17 =	sand.u32 @!p1 $0x3FFFFFFF, s17  }
0x31: {  	s14 =	smov.u32 s20;
	_ =	swait.ge @!p1 [sflag:s21], s17;
	s23 =	ssub.s32 @!p1 $0x0, s17  }
0x32: {  	s17 =	smov.u32 s11;
	s11 =	smov.u32 s7;
	[sflag:s21] =	ssyncset.done @!p1 $0x0  }
0x33: {  	s16 =	smov.u32 s24;
	s15 =	smov.u32 s22;
	[sflag:s21] =	ssyncadd.s32 @!p1 s23  }
.LBB1_1:
0x34: {  	p1 =	sge.u32 s16, s6  }
0x35: {  	s20 =	sshll.u32 @!p1 s14, $0x9  }
0x36: {  	s21 =	sshll.u32 @!p1 s14, $0x7;
	s20 =	sand.u32 @!p1 $0xFFFFF000, s20  }
0x37: {  	s21 =	sand.u32 @!p1 $0x200, s21;
	s20 =	sor.u32 @!p1 s8, s20  }
0x38: {  	s20 =	sor.u32 @!p1 s21, s20  }
0x39: {  	s20 =	sshrl.u32 @!p1 s20, $0x9  }
0x3a: {  	s21 =	smulhi.u32 @!p1 $0x147AE15, s20;
	_ =	sdelay $0x1  }
0x3b: {  	s21 =	smul.u32 @!p1 $0xC8, s21  }
0x3c: {  	s31 =	sadd.s32 $0xFFFFFFFF, s16;
	s22 =	smul.u32 @!p1 $0x3200, s15  }
0x3d: {  	s23 =	sxor.u32 @!p1 $0xFFFFFFFF, s16;
	s20 =	ssub.s32 @!p1 s20, s21;
	s21 =	sshll.u32 @!p1 s14, $0x4  }
0x3e: {  	s23 =	sshll.u32 @!p1 s23, $0xE;
	s22 =	sadd.s32 @!p1 s4, s22;
	s21 =	sand.u32 @!p1 $0x30, s21  }
0x3f: {  	s23 =	sand.u32 @!p1 $0x4000, s23;
	s20 =	sshll.u32 @!p1 s20, $0x6;
	s21 =	sadd.s32 @!p1 s21, s22  }
0x40: {  	s22 =	simm.s32 @!p1 $0x19000;
	s20 =	sadd.s32 @!p1 s20, s21;
	s21 =	simm.s32 @!p1 $0x80  }
0x41: {  	[tilespmem:s23], [sflag:$0x1] =	stream.strided.gather @!p1 [hbm4b:s20+s21], $0x4000, s22, s21, $0x38;
	[tilespmem:$0x10100] =	vst v63  }
0x42: {  	p1 =	sge.u32 s31, s6  }
.Ltmp2:
0x43: {  	_ = 	snop;
	(pc) =	sbr.rel @p1 .LBB1_5-.Ltmp2, $1  }
0x44: {  	_ =	sdelay $0x3  }
0x45: {  	s20 =	simm.s32 $0x1  }
0x46: {  	_ =	swait.ge [sflag:s5], $0x4000;
	s20 =	simm.s32 @!p0 $0x0  }
0x47: {  	[sflag:s5] =	ssyncset.done $0x0;
	s21 =	sshll.u32 s20, $0xE  }
0x48: {  	[sflag:s5] =	ssyncadd.s32 $0xFFFFC000;
	s21 =	sor.u32 $0x40, s21  }
0x49: {  	s20 =	smul.u32 $0x10200, s20;
	v0 =	vld [tilespmem:s21+$0x30]  }
0x4a: {  	v1 =	vld [tilespmem:s21+$0xFFFFFFD0]  }
0x4b: {  	s20 =	sshrl.u32 s20, $0x2;
	v5 =	vld [tilespmem:s21+$0xFFFFFFE0]  }
0x4c: {  	v6 =	vld [tilespmem:s21+$0xFFFFFFF0];
	s23 =	sor.u32 $0x8000, s20  }
0x4d: {  	s31 =	sand.u32 $0x1, s16;
	v4 =	vld [tilespmem:s21+$0x0];
	s22 =	sadd.s32 $0x0, s23  }
0x4e: {  	v3 =	vld [tilespmem:s21+$0x10];
	s20 =	smul.u32 $0x10200, s31;
	[tilespmem:s22+$0x3870 ss:$0x81] =	vst.msk $0xffff, v0  }
0x4f: {  	v2 =	vld [tilespmem:s21+$0x20];
	[tilespmem:s22+$0x810 ss:$0x81] =	vst.msk $0xffff, v1  }
0x50: {  	s20 =	sshrl.u32 s20, $0x2;
	v1 =	vld [tilespmem:s21+$0xFFFFFFC0];
	[tilespmem:s22+$0x1020 ss:$0x81] =	vst.msk $0xffff, v5;
	s21 =	sadd.s32 $0x80, s21  }
0x51: {  	s24 =	simm.s32 $0x4;
	s25 =	simm.s32 $0x8;
	s20 =	sor.u32 $0x8000, s20;
	[tilespmem:s22+$0x1830 ss:$0x81] =	vst.msk $0xffff, v6;
	v0 =	vld [tilespmem:s21+$0x30]  }
.LBB1_3:
0x52: {  	p1 =	sne.s32 s25, $0x1FC;
	v5 =	vld [tilespmem:s21+$0xFFFFFFD0];
	[tilespmem:s22+$0x2040 ss:$0x81] =	vst.msk $0xffff, v4  }
0x53: {  	v6 =	vld [tilespmem:s21+$0xFFFFFFE0];
	[tilespmem:s22+$0x2850 ss:$0x81] =	vst.msk $0xffff, v3  }
0x54: {  	s26 =	sshra.s32 s24, $0x2;
	s24 =	smov.u32 s25;
	v7 =	vld [tilespmem:s21+$0xFFFFFFF0];
	[tilespmem:s22+$0x3060 ss:$0x81] =	vst.msk $0xffff, v2  }
.Ltmp3:
0x55: {  	v4 =	vld [tilespmem:s21+$0x0];
	[tilespmem:s22+$0x0 ss:$0x81] =	vst.msk $0xffff, v1;
	s22 =	sadd.s32 s26, s23;
	(pc) =	sbr.rel @p1 .LBB1_3-.Ltmp3, $4  }
0x56: {  	v3 =	vld [tilespmem:s21+$0x10];
	[tilespmem:s22+$0x3870 ss:$0x81] =	vst.msk $0xffff, v0  }
0x57: {  	[tilespmem:s22+$0x810 ss:$0x81] =	vst.msk $0xffff, v5;
	v2 =	vld [tilespmem:s21+$0x20]  }
0x58: {  	v1 =	vld [tilespmem:s21+$0xFFFFFFC0];
	[tilespmem:s22+$0x1020 ss:$0x81] =	vst.msk $0xffff, v6;
	s21 =	sadd.s32 $0x80, s21  }
0x59: {  	s25 =	sadd.s32 $0x4, s25;
	v0 =	vld [tilespmem:s21+$0x30];
	[tilespmem:s22+$0x1830 ss:$0x81] =	vst.msk $0xffff, v7  }
.Ltmp4:
0x5a: {  	_ = 	snop;
	(pc) =	sbr.rel .LBB1_4-.Ltmp4, $1  }
0x5b: {  	_ =	sdelay $0x3  }
.LBB1_6:
0x5c: {  	_ =	sfence.sel $0x180000  }
0x5d: {  	s2 =	simm.s32 $0x1;
	[bflag:$0x0] =	sbarrier.arrive $0xFFFF  }
0x5e: {  	s31 =	simm.s32 $0x2;
	[sflag:s2] =	ssyncpa.u1 $0x1  }
0x5f: {  	[sflag:s31] =	ssyncpa.u1 $0x1  }
0x60: {  	p0 =	sne.s32 s0, $0x0;
	_ =	strace $0x9000004A  }
0x61: {  	s0 =	sadd.s32 @!p0 $0x100000, s1;
	[bflag:$0x2] =	sbarrier.arrive $0xFFFF  }
0x62: {  	[sflag:s0] =	ssyncadd.tile.s32 @!p0 $0x1;
	_ =	shalt  }
.Lfunc_end1:
_tile_overlayer_lowered:
.L_overlay_start_2:
0x63: {  	(tag) =	ssettag $0x2  }
0x64: {  	s0 =	rddreg [dreg:$0x0];
	s2 =	stileid.u32  }
0x65: {  	s1 =	rddreg [dreg:$0x1];
	p0 =	sne.s32 s2, $0x0  }
0x66: {  	s3 =	rddreg [dreg:$0x2];
	[bflag:$0x3] =	sbarrier.arrive $0xFFFF;
	s2 =	simm.s32 @!p0 $0x1C01  }
0x67: {  	[timem:s3], [sflag:s2] =	dma.local @!p0 [hbm:s0], s1  }
0x68: {  	s0 =	simm.s32 @!p0 $0x1  }
0x69: {  	_ =	swait.ge @!p0 [sflag:s0], s1  }
0x6a: {  	s1 =	ssub.s32 @!p0 $0x0, s1;
	[sflag:s0] =	ssyncset.done @!p0 $0x0  }
0x6b: {  	[sflag:s0] =	ssyncadd.s32 @!p0 s1  }
0x6c: {  	[bflag:$0x3] =	sbarrier.arrive $0xFFFF  }
0x6d: {  	_ =	shalt  }

</sc_bundles>
